<compile_context>
chip_gen: v7x
topology: tpu7x:2x2x1
jax: 0.10.2.dev20260603
libtpu: 0.0.44.dev20260713+nightly
codegen_flags: <defaults>
</compile_context>

<pallas_src>
import functools

import jax
import jax.numpy as jnp
from jax import lax
from jax.experimental import pallas as pl
from jax.experimental.pallas import tpu as pltpu
from jax.experimental.pallas import tpu_sc as plsc

NUM_CORES = 2
NUM_SUBCORES = 16
NUM_WORKERS = NUM_CORES * NUM_SUBCORES
DEPTH = 5
PAD = 128


@functools.partial(jax.jit, static_argnums=(2, 3, 4))
def _sc_gather_t(table, idx_t, B, T, feat):
    bpw = B // NUM_WORKERS
    mesh = plsc.VectorSubcoreMesh(core_axis_name="c", subcore_axis_name="s")

    @functools.partial(
        pl.kernel,
        mesh=mesh,
        compiler_params=pltpu.CompilerParams(use_tc_tiling_on_sc=False),
        out_type=jax.ShapeDtypeStruct((B, T, PAD), jnp.int32),
        scratch_types=[
            pltpu.VMEM((T, bpw), jnp.int32),
            pltpu.VMEM((DEPTH, bpw, feat), jnp.int32),
        ]
        + [pltpu.SemaphoreType.DMA] * (2 * DEPTH),
    )
    def run(table_hbm, idx_hbm, out_hbm, idx_v, rows_v, *sems):
        gsems = sems[:DEPTH]
        wsems = sems[DEPTH:]
        wid = lax.axis_index("s") * NUM_CORES + lax.axis_index("c")
        b0 = wid * bpw
        pltpu.sync_copy(idx_hbm.at[:, pl.ds(b0, bpw)], idx_v)

        for d in range(DEPTH - 1):
            pltpu.async_copy(table_hbm.at[idx_v.at[d]], rows_v.at[d], gsems[d])

        def outer(o, _):
            for d in range(DEPTH):
                t = o * DEPTH + d
                prev = (d - 1) % DEPTH

                @pl.when(t > 0)
                def _():
                    pltpu.make_async_copy(
                        rows_v.at[prev],
                        out_hbm.at[pl.ds(b0, bpw), t - 1, pl.ds(0, feat)],
                        wsems[prev],
                    ).wait()

                @pl.when(t + DEPTH - 1 < T)
                def _():
                    pltpu.async_copy(
                        table_hbm.at[idx_v.at[t + DEPTH - 1]],
                        rows_v.at[prev],
                        gsems[prev],
                    )

                pltpu.make_async_copy(
                    table_hbm.at[idx_v.at[t]], rows_v.at[d], gsems[d]
                ).wait()
                pltpu.async_copy(
                    rows_v.at[d],
                    out_hbm.at[pl.ds(b0, bpw), t, pl.ds(0, feat)],
                    wsems[d],
                )
            return 0

        lax.fori_loop(0, T // DEPTH, outer, 0)
        last = (T - 1) % DEPTH
        pltpu.make_async_copy(
            rows_v.at[last],
            out_hbm.at[pl.ds(b0, bpw), T - 1, pl.ds(0, feat)],
            wsems[last],
        ).wait()

    return run(table, idx_t)


def kernel(token_ids, W):
    B, T = token_ids.shape
    V, feat = W.shape
    assert B % (NUM_WORKERS * 128) == 0 and T % DEPTH == 0
    table_i32 = W.astype(jnp.int32)
    idx_t = token_ids.astype(jnp.int32).T
    padded = _sc_gather_t(table_i32, idx_t, B, T, feat)
    return padded[:, :, :feat].astype(jnp.int64)

# --- scband reference (transcript-rebuilt; emitter-appended) ---
"""Pipeline reference for scband-bpe2-base-idmapper-52596169507197 (READ-ONLY COPY).

The authoritative reference and input builder live on the scoring server;
editing this copy changes nothing except your own understanding.
"""

import jax, jax.numpy as jnp
import numpy as np

TOKEN_VOCAB_SIZE = 100000
MAX_BPE_LEN = 16
BASE_VOCAB_SIZE = 50000


def setup_inputs(seed: int = 0) -> dict:
    key = jax.random.key(seed)
    k1, k2 = jax.random.split(key)
    token_ids = jax.random.randint(k1, (4096, 200), 0, TOKEN_VOCAB_SIZE).astype(jnp.int64)
    # Embedding weight: simulates init_base_ids (integer base-token ids stored as float).
    # With init_base_ids=None the table would be all base_pad_id=0; we use a nontrivial
    # integer-valued table to keep the lookup meaningful.
    W = jax.random.randint(k2, (TOKEN_VOCAB_SIZE, MAX_BPE_LEN), 0, BASE_VOCAB_SIZE).astype(jnp.float32)
    return {"token_ids": token_ids, "W": W}


def reference(token_ids, W):
    # nn.Embedding lookup -> (B, T, L), then cast to long
    base_ids = jnp.take(W, token_ids, axis=0)
    return base_ids.astype(jnp.int64)

if __name__ == "__main__":
    import jax
    _d = setup_inputs()
    print(jax.jit(kernel)(*tuple(_d.values())))

</pallas_src>

<mosaic_0001>
#map = affine_map<(d0, d1) -> (0, 0)>
#map1 = affine_map<(d0, d1) -> (0, 0, 0)>
module attributes {stable_mosaic.version = 14 : i64} {
  func.func @run(%arg0: i32, %arg1: i32, %arg2: memref<100000x16xi32, #tpu.memory_space<hbm>>, %arg3: memref<200x4096xi32, #tpu.memory_space<hbm>>, %arg4: memref<4096x200x128xi32, #tpu.memory_space<hbm>>, %arg5: memref<200x128xi32, #tpu.memory_space<vmem>>, %arg6: memref<5x128x16xi32, #tpu.memory_space<vmem>>, %arg7: memref<!tpu.dma_semaphore, #tpu.memory_space<semaphore_mem>>, %arg8: memref<!tpu.dma_semaphore, #tpu.memory_space<semaphore_mem>>, %arg9: memref<!tpu.dma_semaphore, #tpu.memory_space<semaphore_mem>>, %arg10: memref<!tpu.dma_semaphore, #tpu.memory_space<semaphore_mem>>, %arg11: memref<!tpu.dma_semaphore, #tpu.memory_space<semaphore_mem>>, %arg12: memref<!tpu.dma_semaphore, #tpu.memory_space<semaphore_mem>>, %arg13: memref<!tpu.dma_semaphore, #tpu.memory_space<semaphore_mem>>, %arg14: memref<!tpu.dma_semaphore, #tpu.memory_space<semaphore_mem>>, %arg15: memref<!tpu.dma_semaphore, #tpu.memory_space<semaphore_mem>>, %arg16: memref<!tpu.dma_semaphore, #tpu.memory_space<semaphore_mem>>) attributes {dimension_semantics = [#tpu.dimension_semantics<core_parallel>, #tpu.dimension_semantics<subcore_parallel>], iteration_bounds = array<i64: 2, 16>, scalar_prefetch = 0 : i64, scratch_operands = 12 : i64, tpu.core_type = #tpu.core_type<sc_vector_subcore>, window_params = [{transform_indices = #map}, {transform_indices = #map}, {transform_indices = #map1}]} {
    %mul3A = arith.constant 2 : i32
    %mul3A_0 = arith.muli %arg1, %mul3A : i32
    %add3A = arith.addi %mul3A_0, %arg0 : i32
    %mul3A_1 = arith.constant 128 : i32
    %mul3A_2 = arith.muli %add3A, %mul3A_1 : i32
    "tpu.region"() ({
      %run_scoped3A = tpu.sem_alloc : memref<!tpu.dma_semaphore, #tpu.memory_space<semaphore_mem>>
      %dma_start3A_71 = arith.constant 0 : i32
      %dma_start3A_72 = tpu.memref_slice %arg3[%dma_start3A_71, %mul3A_2] : memref<200x4096xi32, #tpu.memory_space<hbm>> -> memref<200x128xi32, #tpu.memory_space<hbm>>
      %dma_start3A_73 = arith.constant 0 : i32
      %dma_start3A_74 = tpu.memref_slice %arg3[%dma_start3A_73, %mul3A_2] : memref<200x4096xi32, #tpu.memory_space<hbm>> -> memref<200x128xi32, #tpu.memory_space<hbm>>
      tpu.enqueue_dma source(%dma_start3A_74 : memref<200x128xi32, #tpu.memory_space<hbm>>) target(%arg5 : memref<200x128xi32, #tpu.memory_space<vmem>>) target_semaphore(%run_scoped3A : memref<!tpu.dma_semaphore, #tpu.memory_space<semaphore_mem>>)
      %dma_wait3A_75 = arith.constant 0 : i32
      %dma_wait3A_76 = tpu.memref_slice %arg3[%dma_wait3A_75, %mul3A_2] : memref<200x4096xi32, #tpu.memory_space<hbm>> -> memref<200x128xi32, #tpu.memory_space<hbm>>
      %dma_wait3A_77 = arith.constant 0 : i32
      %dma_wait3A_78 = tpu.memref_slice %arg3[%dma_wait3A_77, %mul3A_2] : memref<200x4096xi32, #tpu.memory_space<hbm>> -> memref<200x128xi32, #tpu.memory_space<hbm>>
      tpu.wait_dma2 semaphore(%run_scoped3A : memref<!tpu.dma_semaphore, #tpu.memory_space<semaphore_mem>>) src(%dma_wait3A_78 : memref<200x128xi32, #tpu.memory_space<hbm>>) dst(%arg5 : memref<200x128xi32, #tpu.memory_space<vmem>>)
      tpu.yield
    }) : () -> ()
    %dma_start3A = arith.constant 0 : i32
    %dma_start3A_3 = arith.constant 0 : i32
    %dma_start3A_4 = arith.constant 0 : i32
    %dma_start3A_5 = arith.constant 0 : i32
    %dma_start3A_6 = tpu.memref_slice %arg6[%dma_start3A_3, %dma_start3A_4, %dma_start3A_5] : memref<5x128x16xi32, #tpu.memory_space<vmem>> -> memref<1x128x16xi32, #tpu.memory_space<vmem>>
    %dma_start3A_7 = tpu.memref_squeeze %dma_start3A_6 : memref<1x128x16xi32, #tpu.memory_space<vmem>> -> memref<128x16xi32, #tpu.memory_space<vmem>>
    %dma_start3A_8 = arith.constant 0 : i32
    %dma_start3A_9 = tpu.memref_slice %arg5[%dma_start3A, %dma_start3A_8] : memref<200x128xi32, #tpu.memory_space<vmem>> -> memref<1x128xi32, #tpu.memory_space<vmem>>
    %dma_start3A_10 = tpu.memref_squeeze %dma_start3A_9 : memref<1x128xi32, #tpu.memory_space<vmem>> -> memref<128xi32, #tpu.memory_space<vmem>>
    %dma_start3A_11 = arith.constant 0 : i32
    %dma_start3A_12 = arith.constant 0 : i32
    %dma_start3A_13 = tpu.memref_slice %arg2[%dma_start3A_11, %dma_start3A_12] : memref<100000x16xi32, #tpu.memory_space<hbm>> -> memref<100000x16xi32, #tpu.memory_space<hbm>>
    tpu.enqueue_indirect_dma source(%dma_start3A_13 : memref<100000x16xi32, #tpu.memory_space<hbm>>) target(%dma_start3A_7 : memref<128x16xi32, #tpu.memory_space<vmem>>) offsets(%dma_start3A_10 : memref<128xi32, #tpu.memory_space<vmem>>) semaphore(%arg7 : memref<!tpu.dma_semaphore, #tpu.memory_space<semaphore_mem>>)
    %dma_start3A_14 = arith.constant 1 : i32
    %dma_start3A_15 = arith.constant 1 : i32
    %dma_start3A_16 = arith.constant 0 : i32
    %dma_start3A_17 = arith.constant 0 : i32
    %dma_start3A_18 = tpu.memref_slice %arg6[%dma_start3A_15, %dma_start3A_16, %dma_start3A_17] : memref<5x128x16xi32, #tpu.memory_space<vmem>> -> memref<1x128x16xi32, #tpu.memory_space<vmem>>
    %dma_start3A_19 = tpu.memref_squeeze %dma_start3A_18 : memref<1x128x16xi32, #tpu.memory_space<vmem>> -> memref<128x16xi32, #tpu.memory_space<vmem>>
    %dma_start3A_20 = arith.constant 0 : i32
    %dma_start3A_21 = tpu.memref_slice %arg5[%dma_start3A_14, %dma_start3A_20] : memref<200x128xi32, #tpu.memory_space<vmem>> -> memref<1x128xi32, #tpu.memory_space<vmem>>
    %dma_start3A_22 = tpu.memref_squeeze %dma_start3A_21 : memref<1x128xi32, #tpu.memory_space<vmem>> -> memref<128xi32, #tpu.memory_space<vmem>>
    %dma_start3A_23 = arith.constant 0 : i32
    %dma_start3A_24 = arith.constant 0 : i32
    %dma_start3A_25 = tpu.memref_slice %arg2[%dma_start3A_23, %dma_start3A_24] : memref<100000x16xi32, #tpu.memory_space<hbm>> -> memref<100000x16xi32, #tpu.memory_space<hbm>>
    tpu.enqueue_indirect_dma source(%dma_start3A_25 : memref<100000x16xi32, #tpu.memory_space<hbm>>) target(%dma_start3A_19 : memref<128x16xi32, #tpu.memory_space<vmem>>) offsets(%dma_start3A_22 : memref<128xi32, #tpu.memory_space<vmem>>) semaphore(%arg8 : memref<!tpu.dma_semaphore, #tpu.memory_space<semaphore_mem>>)
    %dma_start3A_26 = arith.constant 2 : i32
    %dma_start3A_27 = arith.constant 2 : i32
    %dma_start3A_28 = arith.constant 0 : i32
    %dma_start3A_29 = arith.constant 0 : i32
    %dma_start3A_30 = tpu.memref_slice %arg6[%dma_start3A_27, %dma_start3A_28, %dma_start3A_29] : memref<5x128x16xi32, #tpu.memory_space<vmem>> -> memref<1x128x16xi32, #tpu.memory_space<vmem>>
    %dma_start3A_31 = tpu.memref_squeeze %dma_start3A_30 : memref<1x128x16xi32, #tpu.memory_space<vmem>> -> memref<128x16xi32, #tpu.memory_space<vmem>>
    %dma_start3A_32 = arith.constant 0 : i32
    %dma_start3A_33 = tpu.memref_slice %arg5[%dma_start3A_26, %dma_start3A_32] : memref<200x128xi32, #tpu.memory_space<vmem>> -> memref<1x128xi32, #tpu.memory_space<vmem>>
    %dma_start3A_34 = tpu.memref_squeeze %dma_start3A_33 : memref<1x128xi32, #tpu.memory_space<vmem>> -> memref<128xi32, #tpu.memory_space<vmem>>
    %dma_start3A_35 = arith.constant 0 : i32
    %dma_start3A_36 = arith.constant 0 : i32
    %dma_start3A_37 = tpu.memref_slice %arg2[%dma_start3A_35, %dma_start3A_36] : memref<100000x16xi32, #tpu.memory_space<hbm>> -> memref<100000x16xi32, #tpu.memory_space<hbm>>
    tpu.enqueue_indirect_dma source(%dma_start3A_37 : memref<100000x16xi32, #tpu.memory_space<hbm>>) target(%dma_start3A_31 : memref<128x16xi32, #tpu.memory_space<vmem>>) offsets(%dma_start3A_34 : memref<128xi32, #tpu.memory_space<vmem>>) semaphore(%arg9 : memref<!tpu.dma_semaphore, #tpu.memory_space<semaphore_mem>>)
    %dma_start3A_38 = arith.constant 3 : i32
    %dma_start3A_39 = arith.constant 3 : i32
    %dma_start3A_40 = arith.constant 0 : i32
    %dma_start3A_41 = arith.constant 0 : i32
    %dma_start3A_42 = tpu.memref_slice %arg6[%dma_start3A_39, %dma_start3A_40, %dma_start3A_41] : memref<5x128x16xi32, #tpu.memory_space<vmem>> -> memref<1x128x16xi32, #tpu.memory_space<vmem>>
    %dma_start3A_43 = tpu.memref_squeeze %dma_start3A_42 : memref<1x128x16xi32, #tpu.memory_space<vmem>> -> memref<128x16xi32, #tpu.memory_space<vmem>>
    %dma_start3A_44 = arith.constant 0 : i32
    %dma_start3A_45 = tpu.memref_slice %arg5[%dma_start3A_38, %dma_start3A_44] : memref<200x128xi32, #tpu.memory_space<vmem>> -> memref<1x128xi32, #tpu.memory_space<vmem>>
    %dma_start3A_46 = tpu.memref_squeeze %dma_start3A_45 : memref<1x128xi32, #tpu.memory_space<vmem>> -> memref<128xi32, #tpu.memory_space<vmem>>
    %dma_start3A_47 = arith.constant 0 : i32
    %dma_start3A_48 = arith.constant 0 : i32
    %dma_start3A_49 = tpu.memref_slice %arg2[%dma_start3A_47, %dma_start3A_48] : memref<100000x16xi32, #tpu.memory_space<hbm>> -> memref<100000x16xi32, #tpu.memory_space<hbm>>
    tpu.enqueue_indirect_dma source(%dma_start3A_49 : memref<100000x16xi32, #tpu.memory_space<hbm>>) target(%dma_start3A_43 : memref<128x16xi32, #tpu.memory_space<vmem>>) offsets(%dma_start3A_46 : memref<128xi32, #tpu.memory_space<vmem>>) semaphore(%arg10 : memref<!tpu.dma_semaphore, #tpu.memory_space<semaphore_mem>>)
    %scan3A = arith.constant 0 : i32
    %scan3A_50 = arith.constant 0 : i32
    %scan3A_51 = arith.constant 40 : i32
    %scan3A_52 = arith.addi %scan3A_50, %scan3A_51 : i32
    %scan3A_53 = arith.constant 1 : i32
    %scan3A_54 = scf.for %scan3A_71 = %scan3A_50 to %scan3A_52 step %scan3A_53 iter_args(%scan3A_72 = %scan3A) -> (i32)  : i32 {
      %mul3A_73 = arith.constant 5 : i32
      %mul3A_74 = arith.muli %scan3A_71, %mul3A_73 : i32
      %add3A_75 = arith.constant 0 : i32
      %add3A_76 = arith.addi %mul3A_74, %add3A_75 : i32
      %gt3A = arith.constant 0 : i32
      %gt3A_77 = arith.cmpi sgt, %add3A_76, %gt3A : i32
      %convert_element_type3A = arith.extui %gt3A_77 : i1 to i32
      %cond3A = arith.constant 0 : i32
      %cond3A_78 = arith.cmpi ne, %convert_element_type3A, %cond3A : i32
      scf.if %cond3A_78 {
        %sub3A_289 = arith.constant 1 : i32
        %sub3A_290 = arith.subi %add3A_76, %sub3A_289 : i32
        %dma_wait3A_291 = arith.constant 4 : i32
        %dma_wait3A_292 = arith.constant 0 : i32
        %dma_wait3A_293 = arith.constant 0 : i32
        %dma_wait3A_294 = tpu.memref_slice %arg6[%dma_wait3A_291, %dma_wait3A_292, %dma_wait3A_293] : memref<5x128x16xi32, #tpu.memory_space<vmem>> -> memref<1x128x16xi32, #tpu.memory_space<vmem>>
        %dma_wait3A_295 = tpu.memref_squeeze %dma_wait3A_294 : memref<1x128x16xi32, #tpu.memory_space<vmem>> -> memref<128x16xi32, #tpu.memory_space<vmem>>
        %dma_wait3A_296 = arith.constant 0 : i32
        %dma_wait3A_297 = tpu.memref_slice %arg4[%mul3A_2, %sub3A_290, %dma_wait3A_296] : memref<4096x200x128xi32, #tpu.memory_space<hbm>> -> memref<128x1x16xi32, #tpu.memory_space<hbm>>
        %dma_wait3A_298 = tpu.memref_squeeze %dma_wait3A_297 : memref<128x1x16xi32, #tpu.memory_space<hbm>> -> memref<128x16xi32, #tpu.memory_space<hbm>>
        %dma_wait3A_299 = arith.constant 0 : i32
        %dma_wait3A_300 = tpu.memref_slice %arg4[%mul3A_2, %sub3A_290, %dma_wait3A_299] : memref<4096x200x128xi32, #tpu.memory_space<hbm>> -> memref<128x1x16xi32, #tpu.memory_space<hbm>>
        %dma_wait3A_301 = tpu.memref_squeeze %dma_wait3A_300 : memref<128x1x16xi32, #tpu.memory_space<hbm>> -> memref<128x16xi32, #tpu.memory_space<hbm>>
        %dma_wait3A_302 = arith.constant 0 : i32
        %dma_wait3A_303 = arith.constant 0 : i32
        %dma_wait3A_304 = tpu.memref_slice %arg6[%dma_wait3A_291, %dma_wait3A_302, %dma_wait3A_303] : memref<5x128x16xi32, #tpu.memory_space<vmem>> -> memref<1x128x16xi32, #tpu.memory_space<vmem>>
        %dma_wait3A_305 = tpu.memref_squeeze %dma_wait3A_304 : memref<1x128x16xi32, #tpu.memory_space<vmem>> -> memref<128x16xi32, #tpu.memory_space<vmem>>
        tpu.wait_dma2 semaphore(%arg16 : memref<!tpu.dma_semaphore, #tpu.memory_space<semaphore_mem>>) src(%dma_wait3A_305 : memref<128x16xi32, #tpu.memory_space<vmem>>) dst(%dma_wait3A_301 : memref<128x16xi32, #tpu.memory_space<hbm>>)
      } else {
      }
      %add3A_79 = arith.constant 5 : i32
      %add3A_80 = arith.addi %add3A_76, %add3A_79 : i32
      %sub3A = arith.constant 1 : i32
      %sub3A_81 = arith.subi %add3A_80, %sub3A : i32
      %lt3A = arith.constant 200 : i32
      %lt3A_82 = arith.cmpi slt, %sub3A_81, %lt3A : i32
      %convert_element_type3A_83 = arith.extui %lt3A_82 : i1 to i32
      %cond3A_84 = arith.constant 0 : i32
      %cond3A_85 = arith.cmpi ne, %convert_element_type3A_83, %cond3A_84 : i32
      scf.if %cond3A_85 {
        %add3A_289 = arith.constant 5 : i32
        %add3A_290 = arith.addi %add3A_76, %add3A_289 : i32
        %sub3A_291 = arith.constant 1 : i32
        %sub3A_292 = arith.subi %add3A_290, %sub3A_291 : i32
        %dma_start3A_293 = arith.constant 4 : i32
        %dma_start3A_294 = arith.constant 0 : i32
        %dma_start3A_295 = arith.constant 0 : i32
        %dma_start3A_296 = tpu.memref_slice %arg6[%dma_start3A_293, %dma_start3A_294, %dma_start3A_295] : memref<5x128x16xi32, #tpu.memory_space<vmem>> -> memref<1x128x16xi32, #tpu.memory_space<vmem>>
        %dma_start3A_297 = tpu.memref_squeeze %dma_start3A_296 : memref<1x128x16xi32, #tpu.memory_space<vmem>> -> memref<128x16xi32, #tpu.memory_space<vmem>>
        %dma_start3A_298 = arith.constant 0 : i32
        %dma_start3A_299 = tpu.memref_slice %arg5[%sub3A_292, %dma_start3A_298] : memref<200x128xi32, #tpu.memory_space<vmem>> -> memref<1x128xi32, #tpu.memory_space<vmem>>
        %dma_start3A_300 = tpu.memref_squeeze %dma_start3A_299 : memref<1x128xi32, #tpu.memory_space<vmem>> -> memref<128xi32, #tpu.memory_space<vmem>>
        %dma_start3A_301 = arith.constant 0 : i32
        %dma_start3A_302 = arith.constant 0 : i32
        %dma_start3A_303 = tpu.memref_slice %arg2[%dma_start3A_301, %dma_start3A_302] : memref<100000x16xi32, #tpu.memory_space<hbm>> -> memref<100000x16xi32, #tpu.memory_space<hbm>>
        tpu.enqueue_indirect_dma source(%dma_start3A_303 : memref<100000x16xi32, #tpu.memory_space<hbm>>) target(%dma_start3A_297 : memref<128x16xi32, #tpu.memory_space<vmem>>) offsets(%dma_start3A_300 : memref<128xi32, #tpu.memory_space<vmem>>) semaphore(%arg11 : memref<!tpu.dma_semaphore, #tpu.memory_space<semaphore_mem>>)
      } else {
      }
      %dma_wait3A_86 = arith.constant 0 : i32
      %dma_wait3A_87 = arith.constant 0 : i32
      %dma_wait3A_88 = arith.constant 0 : i32
      %dma_wait3A_89 = tpu.memref_slice %arg6[%dma_wait3A_86, %dma_wait3A_87, %dma_wait3A_88] : memref<5x128x16xi32, #tpu.memory_space<vmem>> -> memref<1x128x16xi32, #tpu.memory_space<vmem>>
      %dma_wait3A_90 = tpu.memref_squeeze %dma_wait3A_89 : memref<1x128x16xi32, #tpu.memory_space<vmem>> -> memref<128x16xi32, #tpu.memory_space<vmem>>
      %dma_wait3A_91 = arith.constant 0 : i32
      %dma_wait3A_92 = tpu.memref_slice %arg5[%add3A_76, %dma_wait3A_91] : memref<200x128xi32, #tpu.memory_space<vmem>> -> memref<1x128xi32, #tpu.memory_space<vmem>>
      %dma_wait3A_93 = tpu.memref_squeeze %dma_wait3A_92 : memref<1x128xi32, #tpu.memory_space<vmem>> -> memref<128xi32, #tpu.memory_space<vmem>>
      %dma_wait3A_94 = arith.constant 0 : i32
      %dma_wait3A_95 = arith.constant 0 : i32
      %dma_wait3A_96 = tpu.memref_slice %arg2[%dma_wait3A_94, %dma_wait3A_95] : memref<100000x16xi32, #tpu.memory_space<hbm>> -> memref<100000x16xi32, #tpu.memory_space<hbm>>
      tpu.wait_indirect_dma semaphore(%arg7 : memref<!tpu.dma_semaphore, #tpu.memory_space<semaphore_mem>>) src(%dma_wait3A_96 : memref<100000x16xi32, #tpu.memory_space<hbm>>) dst(%dma_wait3A_90 : memref<128x16xi32, #tpu.memory_space<vmem>>)
      %dma_start3A_97 = arith.constant 0 : i32
      %dma_start3A_98 = arith.constant 0 : i32
      %dma_start3A_99 = arith.constant 0 : i32
      %dma_start3A_100 = tpu.memref_slice %arg6[%dma_start3A_97, %dma_start3A_98, %dma_start3A_99] : memref<5x128x16xi32, #tpu.memory_space<vmem>> -> memref<1x128x16xi32, #tpu.memory_space<vmem>>
      %dma_start3A_101 = tpu.memref_squeeze %dma_start3A_100 : memref<1x128x16xi32, #tpu.memory_space<vmem>> -> memref<128x16xi32, #tpu.memory_space<vmem>>
      %dma_start3A_102 = arith.constant 0 : i32
      %dma_start3A_103 = tpu.memref_slice %arg4[%mul3A_2, %add3A_76, %dma_start3A_102] : memref<4096x200x128xi32, #tpu.memory_space<hbm>> -> memref<128x1x16xi32, #tpu.memory_space<hbm>>
      %dma_start3A_104 = tpu.memref_squeeze %dma_start3A_103 : memref<128x1x16xi32, #tpu.memory_space<hbm>> -> memref<128x16xi32, #tpu.memory_space<hbm>>
      %dma_start3A_105 = arith.constant 0 : i32
      %dma_start3A_106 = tpu.memref_slice %arg4[%mul3A_2, %add3A_76, %dma_start3A_105] : memref<4096x200x128xi32, #tpu.memory_space<hbm>> -> memref<128x1x16xi32, #tpu.memory_space<hbm>>
      %dma_start3A_107 = tpu.memref_squeeze %dma_start3A_106 : memref<128x1x16xi32, #tpu.memory_space<hbm>> -> memref<128x16xi32, #tpu.memory_space<hbm>>
      %dma_start3A_108 = arith.constant 0 : i32
      %dma_start3A_109 = arith.constant 0 : i32
      %dma_start3A_110 = tpu.memref_slice %arg6[%dma_start3A_97, %dma_start3A_108, %dma_start3A_109] : memref<5x128x16xi32, #tpu.memory_space<vmem>> -> memref<1x128x16xi32, #tpu.memory_space<vmem>>
      %dma_start3A_111 = tpu.memref_squeeze %dma_start3A_110 : memref<1x128x16xi32, #tpu.memory_space<vmem>> -> memref<128x16xi32, #tpu.memory_space<vmem>>
      tpu.enqueue_dma source(%dma_start3A_111 : memref<128x16xi32, #tpu.memory_space<vmem>>) target(%dma_start3A_107 : memref<128x16xi32, #tpu.memory_space<hbm>>) target_semaphore(%arg12 : memref<!tpu.dma_semaphore, #tpu.memory_space<semaphore_mem>>)
      %mul3A_112 = arith.constant 5 : i32
      %mul3A_113 = arith.muli %scan3A_71, %mul3A_112 : i32
      %add3A_114 = arith.constant 1 : i32
      %add3A_115 = arith.addi %mul3A_113, %add3A_114 : i32
      %gt3A_116 = arith.constant 0 : i32
      %gt3A_117 = arith.cmpi sgt, %add3A_115, %gt3A_116 : i32
      %convert_element_type3A_118 = arith.extui %gt3A_117 : i1 to i32
      %cond3A_119 = arith.constant 0 : i32
      %cond3A_120 = arith.cmpi ne, %convert_element_type3A_118, %cond3A_119 : i32
      scf.if %cond3A_120 {
        %sub3A_289 = arith.constant 1 : i32
        %sub3A_290 = arith.subi %add3A_115, %sub3A_289 : i32
        %dma_wait3A_291 = arith.constant 0 : i32
        %dma_wait3A_292 = arith.constant 0 : i32
        %dma_wait3A_293 = arith.constant 0 : i32
        %dma_wait3A_294 = tpu.memref_slice %arg6[%dma_wait3A_291, %dma_wait3A_292, %dma_wait3A_293] : memref<5x128x16xi32, #tpu.memory_space<vmem>> -> memref<1x128x16xi32, #tpu.memory_space<vmem>>
        %dma_wait3A_295 = tpu.memref_squeeze %dma_wait3A_294 : memref<1x128x16xi32, #tpu.memory_space<vmem>> -> memref<128x16xi32, #tpu.memory_space<vmem>>
        %dma_wait3A_296 = arith.constant 0 : i32
        %dma_wait3A_297 = tpu.memref_slice %arg4[%mul3A_2, %sub3A_290, %dma_wait3A_296] : memref<4096x200x128xi32, #tpu.memory_space<hbm>> -> memref<128x1x16xi32, #tpu.memory_space<hbm>>
        %dma_wait3A_298 = tpu.memref_squeeze %dma_wait3A_297 : memref<128x1x16xi32, #tpu.memory_space<hbm>> -> memref<128x16xi32, #tpu.memory_space<hbm>>
        %dma_wait3A_299 = arith.constant 0 : i32
        %dma_wait3A_300 = tpu.memref_slice %arg4[%mul3A_2, %sub3A_290, %dma_wait3A_299] : memref<4096x200x128xi32, #tpu.memory_space<hbm>> -> memref<128x1x16xi32, #tpu.memory_space<hbm>>
        %dma_wait3A_301 = tpu.memref_squeeze %dma_wait3A_300 : memref<128x1x16xi32, #tpu.memory_space<hbm>> -> memref<128x16xi32, #tpu.memory_space<hbm>>
        %dma_wait3A_302 = arith.constant 0 : i32
        %dma_wait3A_303 = arith.constant 0 : i32
        %dma_wait3A_304 = tpu.memref_slice %arg6[%dma_wait3A_291, %dma_wait3A_302, %dma_wait3A_303] : memref<5x128x16xi32, #tpu.memory_space<vmem>> -> memref<1x128x16xi32, #tpu.memory_space<vmem>>
        %dma_wait3A_305 = tpu.memref_squeeze %dma_wait3A_304 : memref<1x128x16xi32, #tpu.memory_space<vmem>> -> memref<128x16xi32, #tpu.memory_space<vmem>>
        tpu.wait_dma2 semaphore(%arg12 : memref<!tpu.dma_semaphore, #tpu.memory_space<semaphore_mem>>) src(%dma_wait3A_305 : memref<128x16xi32, #tpu.memory_space<vmem>>) dst(%dma_wait3A_301 : memref<128x16xi32, #tpu.memory_space<hbm>>)
      } else {
      }
      %add3A_121 = arith.constant 5 : i32
      %add3A_122 = arith.addi %add3A_115, %add3A_121 : i32
      %sub3A_123 = arith.constant 1 : i32
      %sub3A_124 = arith.subi %add3A_122, %sub3A_123 : i32
      %lt3A_125 = arith.constant 200 : i32
      %lt3A_126 = arith.cmpi slt, %sub3A_124, %lt3A_125 : i32
      %convert_element_type3A_127 = arith.extui %lt3A_126 : i1 to i32
      %cond3A_128 = arith.constant 0 : i32
      %cond3A_129 = arith.cmpi ne, %convert_element_type3A_127, %cond3A_128 : i32
      scf.if %cond3A_129 {
        %add3A_289 = arith.constant 5 : i32
        %add3A_290 = arith.addi %add3A_115, %add3A_289 : i32
        %sub3A_291 = arith.constant 1 : i32
        %sub3A_292 = arith.subi %add3A_290, %sub3A_291 : i32
        %dma_start3A_293 = arith.constant 0 : i32
        %dma_start3A_294 = arith.constant 0 : i32
        %dma_start3A_295 = arith.constant 0 : i32
        %dma_start3A_296 = tpu.memref_slice %arg6[%dma_start3A_293, %dma_start3A_294, %dma_start3A_295] : memref<5x128x16xi32, #tpu.memory_space<vmem>> -> memref<1x128x16xi32, #tpu.memory_space<vmem>>
        %dma_start3A_297 = tpu.memref_squeeze %dma_start3A_296 : memref<1x128x16xi32, #tpu.memory_space<vmem>> -> memref<128x16xi32, #tpu.memory_space<vmem>>
        %dma_start3A_298 = arith.constant 0 : i32
        %dma_start3A_299 = tpu.memref_slice %arg5[%sub3A_292, %dma_start3A_298] : memref<200x128xi32, #tpu.memory_space<vmem>> -> memref<1x128xi32, #tpu.memory_space<vmem>>
        %dma_start3A_300 = tpu.memref_squeeze %dma_start3A_299 : memref<1x128xi32, #tpu.memory_space<vmem>> -> memref<128xi32, #tpu.memory_space<vmem>>
        %dma_start3A_301 = arith.constant 0 : i32
        %dma_start3A_302 = arith.constant 0 : i32
        %dma_start3A_303 = tpu.memref_slice %arg2[%dma_start3A_301, %dma_start3A_302] : memref<100000x16xi32, #tpu.memory_space<hbm>> -> memref<100000x16xi32, #tpu.memory_space<hbm>>
        tpu.enqueue_indirect_dma source(%dma_start3A_303 : memref<100000x16xi32, #tpu.memory_space<hbm>>) target(%dma_start3A_297 : memref<128x16xi32, #tpu.memory_space<vmem>>) offsets(%dma_start3A_300 : memref<128xi32, #tpu.memory_space<vmem>>) semaphore(%arg7 : memref<!tpu.dma_semaphore, #tpu.memory_space<semaphore_mem>>)
      } else {
      }
      %dma_wait3A_130 = arith.constant 1 : i32
      %dma_wait3A_131 = arith.constant 0 : i32
      %dma_wait3A_132 = arith.constant 0 : i32
      %dma_wait3A_133 = tpu.memref_slice %arg6[%dma_wait3A_130, %dma_wait3A_131, %dma_wait3A_132] : memref<5x128x16xi32, #tpu.memory_space<vmem>> -> memref<1x128x16xi32, #tpu.memory_space<vmem>>
      %dma_wait3A_134 = tpu.memref_squeeze %dma_wait3A_133 : memref<1x128x16xi32, #tpu.memory_space<vmem>> -> memref<128x16xi32, #tpu.memory_space<vmem>>
      %dma_wait3A_135 = arith.constant 0 : i32
      %dma_wait3A_136 = tpu.memref_slice %arg5[%add3A_115, %dma_wait3A_135] : memref<200x128xi32, #tpu.memory_space<vmem>> -> memref<1x128xi32, #tpu.memory_space<vmem>>
      %dma_wait3A_137 = tpu.memref_squeeze %dma_wait3A_136 : memref<1x128xi32, #tpu.memory_space<vmem>> -> memref<128xi32, #tpu.memory_space<vmem>>
      %dma_wait3A_138 = arith.constant 0 : i32
      %dma_wait3A_139 = arith.constant 0 : i32
      %dma_wait3A_140 = tpu.memref_slice %arg2[%dma_wait3A_138, %dma_wait3A_139] : memref<100000x16xi32, #tpu.memory_space<hbm>> -> memref<100000x16xi32, #tpu.memory_space<hbm>>
      tpu.wait_indirect_dma semaphore(%arg8 : memref<!tpu.dma_semaphore, #tpu.memory_space<semaphore_mem>>) src(%dma_wait3A_140 : memref<100000x16xi32, #tpu.memory_space<hbm>>) dst(%dma_wait3A_134 : memref<128x16xi32, #tpu.memory_space<vmem>>)
      %dma_start3A_141 = arith.constant 1 : i32
      %dma_start3A_142 = arith.constant 0 : i32
      %dma_start3A_143 = arith.constant 0 : i32
      %dma_start3A_144 = tpu.memref_slice %arg6[%dma_start3A_141, %dma_start3A_142, %dma_start3A_143] : memref<5x128x16xi32, #tpu.memory_space<vmem>> -> memref<1x128x16xi32, #tpu.memory_space<vmem>>
      %dma_start3A_145 = tpu.memref_squeeze %dma_start3A_144 : memref<1x128x16xi32, #tpu.memory_space<vmem>> -> memref<128x16xi32, #tpu.memory_space<vmem>>
      %dma_start3A_146 = arith.constant 0 : i32
      %dma_start3A_147 = tpu.memref_slice %arg4[%mul3A_2, %add3A_115, %dma_start3A_146] : memref<4096x200x128xi32, #tpu.memory_space<hbm>> -> memref<128x1x16xi32, #tpu.memory_space<hbm>>
      %dma_start3A_148 = tpu.memref_squeeze %dma_start3A_147 : memref<128x1x16xi32, #tpu.memory_space<hbm>> -> memref<128x16xi32, #tpu.memory_space<hbm>>
      %dma_start3A_149 = arith.constant 0 : i32
      %dma_start3A_150 = tpu.memref_slice %arg4[%mul3A_2, %add3A_115, %dma_start3A_149] : memref<4096x200x128xi32, #tpu.memory_space<hbm>> -> memref<128x1x16xi32, #tpu.memory_space<hbm>>
      %dma_start3A_151 = tpu.memref_squeeze %dma_start3A_150 : memref<128x1x16xi32, #tpu.memory_space<hbm>> -> memref<128x16xi32, #tpu.memory_space<hbm>>
      %dma_start3A_152 = arith.constant 0 : i32
      %dma_start3A_153 = arith.constant 0 : i32
      %dma_start3A_154 = tpu.memref_slice %arg6[%dma_start3A_141, %dma_start3A_152, %dma_start3A_153] : memref<5x128x16xi32, #tpu.memory_space<vmem>> -> memref<1x128x16xi32, #tpu.memory_space<vmem>>
      %dma_start3A_155 = tpu.memref_squeeze %dma_start3A_154 : memref<1x128x16xi32, #tpu.memory_space<vmem>> -> memref<128x16xi32, #tpu.memory_space<vmem>>
      tpu.enqueue_dma source(%dma_start3A_155 : memref<128x16xi32, #tpu.memory_space<vmem>>) target(%dma_start3A_151 : memref<128x16xi32, #tpu.memory_space<hbm>>) target_semaphore(%arg13 : memref<!tpu.dma_semaphore, #tpu.memory_space<semaphore_mem>>)
      %mul3A_156 = arith.constant 5 : i32
      %mul3A_157 = arith.muli %scan3A_71, %mul3A_156 : i32
      %add3A_158 = arith.constant 2 : i32
      %add3A_159 = arith.addi %mul3A_157, %add3A_158 : i32
      %gt3A_160 = arith.constant 0 : i32
      %gt3A_161 = arith.cmpi sgt, %add3A_159, %gt3A_160 : i32
      %convert_element_type3A_162 = arith.extui %gt3A_161 : i1 to i32
      %cond3A_163 = arith.constant 0 : i32
      %cond3A_164 = arith.cmpi ne, %convert_element_type3A_162, %cond3A_163 : i32
      scf.if %cond3A_164 {
        %sub3A_289 = arith.constant 1 : i32
        %sub3A_290 = arith.subi %add3A_159, %sub3A_289 : i32
        %dma_wait3A_291 = arith.constant 1 : i32
        %dma_wait3A_292 = arith.constant 0 : i32
        %dma_wait3A_293 = arith.constant 0 : i32
        %dma_wait3A_294 = tpu.memref_slice %arg6[%dma_wait3A_291, %dma_wait3A_292, %dma_wait3A_293] : memref<5x128x16xi32, #tpu.memory_space<vmem>> -> memref<1x128x16xi32, #tpu.memory_space<vmem>>
        %dma_wait3A_295 = tpu.memref_squeeze %dma_wait3A_294 : memref<1x128x16xi32, #tpu.memory_space<vmem>> -> memref<128x16xi32, #tpu.memory_space<vmem>>
        %dma_wait3A_296 = arith.constant 0 : i32
        %dma_wait3A_297 = tpu.memref_slice %arg4[%mul3A_2, %sub3A_290, %dma_wait3A_296] : memref<4096x200x128xi32, #tpu.memory_space<hbm>> -> memref<128x1x16xi32, #tpu.memory_space<hbm>>
        %dma_wait3A_298 = tpu.memref_squeeze %dma_wait3A_297 : memref<128x1x16xi32, #tpu.memory_space<hbm>> -> memref<128x16xi32, #tpu.memory_space<hbm>>
        %dma_wait3A_299 = arith.constant 0 : i32
        %dma_wait3A_300 = tpu.memref_slice %arg4[%mul3A_2, %sub3A_290, %dma_wait3A_299] : memref<4096x200x128xi32, #tpu.memory_space<hbm>> -> memref<128x1x16xi32, #tpu.memory_space<hbm>>
        %dma_wait3A_301 = tpu.memref_squeeze %dma_wait3A_300 : memref<128x1x16xi32, #tpu.memory_space<hbm>> -> memref<128x16xi32, #tpu.memory_space<hbm>>
        %dma_wait3A_302 = arith.constant 0 : i32
        %dma_wait3A_303 = arith.constant 0 : i32
        %dma_wait3A_304 = tpu.memref_slice %arg6[%dma_wait3A_291, %dma_wait3A_302, %dma_wait3A_303] : memref<5x128x16xi32, #tpu.memory_space<vmem>> -> memref<1x128x16xi32, #tpu.memory_space<vmem>>
        %dma_wait3A_305 = tpu.memref_squeeze %dma_wait3A_304 : memref<1x128x16xi32, #tpu.memory_space<vmem>> -> memref<128x16xi32, #tpu.memory_space<vmem>>
        tpu.wait_dma2 semaphore(%arg13 : memref<!tpu.dma_semaphore, #tpu.memory_space<semaphore_mem>>) src(%dma_wait3A_305 : memref<128x16xi32, #tpu.memory_space<vmem>>) dst(%dma_wait3A_301 : memref<128x16xi32, #tpu.memory_space<hbm>>)
      } else {
      }
      %add3A_165 = arith.constant 5 : i32
      %add3A_166 = arith.addi %add3A_159, %add3A_165 : i32
      %sub3A_167 = arith.constant 1 : i32
      %sub3A_168 = arith.subi %add3A_166, %sub3A_167 : i32
      %lt3A_169 = arith.constant 200 : i32
      %lt3A_170 = arith.cmpi slt, %sub3A_168, %lt3A_169 : i32
      %convert_element_type3A_171 = arith.extui %lt3A_170 : i1 to i32
      %cond3A_172 = arith.constant 0 : i32
      %cond3A_173 = arith.cmpi ne, %convert_element_type3A_171, %cond3A_172 : i32
      scf.if %cond3A_173 {
        %add3A_289 = arith.constant 5 : i32
        %add3A_290 = arith.addi %add3A_159, %add3A_289 : i32
        %sub3A_291 = arith.constant 1 : i32
        %sub3A_292 = arith.subi %add3A_290, %sub3A_291 : i32
        %dma_start3A_293 = arith.constant 1 : i32
        %dma_start3A_294 = arith.constant 0 : i32
        %dma_start3A_295 = arith.constant 0 : i32
        %dma_start3A_296 = tpu.memref_slice %arg6[%dma_start3A_293, %dma_start3A_294, %dma_start3A_295] : memref<5x128x16xi32, #tpu.memory_space<vmem>> -> memref<1x128x16xi32, #tpu.memory_space<vmem>>
        %dma_start3A_297 = tpu.memref_squeeze %dma_start3A_296 : memref<1x128x16xi32, #tpu.memory_space<vmem>> -> memref<128x16xi32, #tpu.memory_space<vmem>>
        %dma_start3A_298 = arith.constant 0 : i32
        %dma_start3A_299 = tpu.memref_slice %arg5[%sub3A_292, %dma_start3A_298] : memref<200x128xi32, #tpu.memory_space<vmem>> -> memref<1x128xi32, #tpu.memory_space<vmem>>
        %dma_start3A_300 = tpu.memref_squeeze %dma_start3A_299 : memref<1x128xi32, #tpu.memory_space<vmem>> -> memref<128xi32, #tpu.memory_space<vmem>>
        %dma_start3A_301 = arith.constant 0 : i32
        %dma_start3A_302 = arith.constant 0 : i32
        %dma_start3A_303 = tpu.memref_slice %arg2[%dma_start3A_301, %dma_start3A_302] : memref<100000x16xi32, #tpu.memory_space<hbm>> -> memref<100000x16xi32, #tpu.memory_space<hbm>>
        tpu.enqueue_indirect_dma source(%dma_start3A_303 : memref<100000x16xi32, #tpu.memory_space<hbm>>) target(%dma_start3A_297 : memref<128x16xi32, #tpu.memory_space<vmem>>) offsets(%dma_start3A_300 : memref<128xi32, #tpu.memory_space<vmem>>) semaphore(%arg8 : memref<!tpu.dma_semaphore, #tpu.memory_space<semaphore_mem>>)
      } else {
      }
      %dma_wait3A_174 = arith.constant 2 : i32
      %dma_wait3A_175 = arith.constant 0 : i32
      %dma_wait3A_176 = arith.constant 0 : i32
      %dma_wait3A_177 = tpu.memref_slice %arg6[%dma_wait3A_174, %dma_wait3A_175, %dma_wait3A_176] : memref<5x128x16xi32, #tpu.memory_space<vmem>> -> memref<1x128x16xi32, #tpu.memory_space<vmem>>
      %dma_wait3A_178 = tpu.memref_squeeze %dma_wait3A_177 : memref<1x128x16xi32, #tpu.memory_space<vmem>> -> memref<128x16xi32, #tpu.memory_space<vmem>>
      %dma_wait3A_179 = arith.constant 0 : i32
      %dma_wait3A_180 = tpu.memref_slice %arg5[%add3A_159, %dma_wait3A_179] : memref<200x128xi32, #tpu.memory_space<vmem>> -> memref<1x128xi32, #tpu.memory_space<vmem>>
      %dma_wait3A_181 = tpu.memref_squeeze %dma_wait3A_180 : memref<1x128xi32, #tpu.memory_space<vmem>> -> memref<128xi32, #tpu.memory_space<vmem>>
      %dma_wait3A_182 = arith.constant 0 : i32
      %dma_wait3A_183 = arith.constant 0 : i32
      %dma_wait3A_184 = tpu.memref_slice %arg2[%dma_wait3A_182, %dma_wait3A_183] : memref<100000x16xi32, #tpu.memory_space<hbm>> -> memref<100000x16xi32, #tpu.memory_space<hbm>>
      tpu.wait_indirect_dma semaphore(%arg9 : memref<!tpu.dma_semaphore, #tpu.memory_space<semaphore_mem>>) src(%dma_wait3A_184 : memref<100000x16xi32, #tpu.memory_space<hbm>>) dst(%dma_wait3A_178 : memref<128x16xi32, #tpu.memory_space<vmem>>)
      %dma_start3A_185 = arith.constant 2 : i32
      %dma_start3A_186 = arith.constant 0 : i32
      %dma_start3A_187 = arith.constant 0 : i32
      %dma_start3A_188 = tpu.memref_slice %arg6[%dma_start3A_185, %dma_start3A_186, %dma_start3A_187] : memref<5x128x16xi32, #tpu.memory_space<vmem>> -> memref<1x128x16xi32, #tpu.memory_space<vmem>>
      %dma_start3A_189 = tpu.memref_squeeze %dma_start3A_188 : memref<1x128x16xi32, #tpu.memory_space<vmem>> -> memref<128x16xi32, #tpu.memory_space<vmem>>
      %dma_start3A_190 = arith.constant 0 : i32
      %dma_start3A_191 = tpu.memref_slice %arg4[%mul3A_2, %add3A_159, %dma_start3A_190] : memref<4096x200x128xi32, #tpu.memory_space<hbm>> -> memref<128x1x16xi32, #tpu.memory_space<hbm>>
      %dma_start3A_192 = tpu.memref_squeeze %dma_start3A_191 : memref<128x1x16xi32, #tpu.memory_space<hbm>> -> memref<128x16xi32, #tpu.memory_space<hbm>>
      %dma_start3A_193 = arith.constant 0 : i32
      %dma_start3A_194 = tpu.memref_slice %arg4[%mul3A_2, %add3A_159, %dma_start3A_193] : memref<4096x200x128xi32, #tpu.memory_space<hbm>> -> memref<128x1x16xi32, #tpu.memory_space<hbm>>
      %dma_start3A_195 = tpu.memref_squeeze %dma_start3A_194 : memref<128x1x16xi32, #tpu.memory_space<hbm>> -> memref<128x16xi32, #tpu.memory_space<hbm>>
      %dma_start3A_196 = arith.constant 0 : i32
      %dma_start3A_197 = arith.constant 0 : i32
      %dma_start3A_198 = tpu.memref_slice %arg6[%dma_start3A_185, %dma_start3A_196, %dma_start3A_197] : memref<5x128x16xi32, #tpu.memory_space<vmem>> -> memref<1x128x16xi32, #tpu.memory_space<vmem>>
      %dma_start3A_199 = tpu.memref_squeeze %dma_start3A_198 : memref<1x128x16xi32, #tpu.memory_space<vmem>> -> memref<128x16xi32, #tpu.memory_space<vmem>>
      tpu.enqueue_dma source(%dma_start3A_199 : memref<128x16xi32, #tpu.memory_space<vmem>>) target(%dma_start3A_195 : memref<128x16xi32, #tpu.memory_space<hbm>>) target_semaphore(%arg14 : memref<!tpu.dma_semaphore, #tpu.memory_space<semaphore_mem>>)
      %mul3A_200 = arith.constant 5 : i32
      %mul3A_201 = arith.muli %scan3A_71, %mul3A_200 : i32
      %add3A_202 = arith.constant 3 : i32
      %add3A_203 = arith.addi %mul3A_201, %add3A_202 : i32
      %gt3A_204 = arith.constant 0 : i32
      %gt3A_205 = arith.cmpi sgt, %add3A_203, %gt3A_204 : i32
      %convert_element_type3A_206 = arith.extui %gt3A_205 : i1 to i32
      %cond3A_207 = arith.constant 0 : i32
      %cond3A_208 = arith.cmpi ne, %convert_element_type3A_206, %cond3A_207 : i32
      scf.if %cond3A_208 {
        %sub3A_289 = arith.constant 1 : i32
        %sub3A_290 = arith.subi %add3A_203, %sub3A_289 : i32
        %dma_wait3A_291 = arith.constant 2 : i32
        %dma_wait3A_292 = arith.constant 0 : i32
        %dma_wait3A_293 = arith.constant 0 : i32
        %dma_wait3A_294 = tpu.memref_slice %arg6[%dma_wait3A_291, %dma_wait3A_292, %dma_wait3A_293] : memref<5x128x16xi32, #tpu.memory_space<vmem>> -> memref<1x128x16xi32, #tpu.memory_space<vmem>>
        %dma_wait3A_295 = tpu.memref_squeeze %dma_wait3A_294 : memref<1x128x16xi32, #tpu.memory_space<vmem>> -> memref<128x16xi32, #tpu.memory_space<vmem>>
        %dma_wait3A_296 = arith.constant 0 : i32
        %dma_wait3A_297 = tpu.memref_slice %arg4[%mul3A_2, %sub3A_290, %dma_wait3A_296] : memref<4096x200x128xi32, #tpu.memory_space<hbm>> -> memref<128x1x16xi32, #tpu.memory_space<hbm>>
        %dma_wait3A_298 = tpu.memref_squeeze %dma_wait3A_297 : memref<128x1x16xi32, #tpu.memory_space<hbm>> -> memref<128x16xi32, #tpu.memory_space<hbm>>
        %dma_wait3A_299 = arith.constant 0 : i32
        %dma_wait3A_300 = tpu.memref_slice %arg4[%mul3A_2, %sub3A_290, %dma_wait3A_299] : memref<4096x200x128xi32, #tpu.memory_space<hbm>> -> memref<128x1x16xi32, #tpu.memory_space<hbm>>
        %dma_wait3A_301 = tpu.memref_squeeze %dma_wait3A_300 : memref<128x1x16xi32, #tpu.memory_space<hbm>> -> memref<128x16xi32, #tpu.memory_space<hbm>>
        %dma_wait3A_302 = arith.constant 0 : i32
        %dma_wait3A_303 = arith.constant 0 : i32
        %dma_wait3A_304 = tpu.memref_slice %arg6[%dma_wait3A_291, %dma_wait3A_302, %dma_wait3A_303] : memref<5x128x16xi32, #tpu.memory_space<vmem>> -> memref<1x128x16xi32, #tpu.memory_space<vmem>>
        %dma_wait3A_305 = tpu.memref_squeeze %dma_wait3A_304 : memref<1x128x16xi32, #tpu.memory_space<vmem>> -> memref<128x16xi32, #tpu.memory_space<vmem>>
        tpu.wait_dma2 semaphore(%arg14 : memref<!tpu.dma_semaphore, #tpu.memory_space<semaphore_mem>>) src(%dma_wait3A_305 : memref<128x16xi32, #tpu.memory_space<vmem>>) dst(%dma_wait3A_301 : memref<128x16xi32, #tpu.memory_space<hbm>>)
      } else {
      }
      %add3A_209 = arith.constant 5 : i32
      %add3A_210 = arith.addi %add3A_203, %add3A_209 : i32
      %sub3A_211 = arith.constant 1 : i32
      %sub3A_212 = arith.subi %add3A_210, %sub3A_211 : i32
      %lt3A_213 = arith.constant 200 : i32
      %lt3A_214 = arith.cmpi slt, %sub3A_212, %lt3A_213 : i32
      %convert_element_type3A_215 = arith.extui %lt3A_214 : i1 to i32
      %cond3A_216 = arith.constant 0 : i32
      %cond3A_217 = arith.cmpi ne, %convert_element_type3A_215, %cond3A_216 : i32
      scf.if %cond3A_217 {
        %add3A_289 = arith.constant 5 : i32
        %add3A_290 = arith.addi %add3A_203, %add3A_289 : i32
        %sub3A_291 = arith.constant 1 : i32
        %sub3A_292 = arith.subi %add3A_290, %sub3A_291 : i32
        %dma_start3A_293 = arith.constant 2 : i32
        %dma_start3A_294 = arith.constant 0 : i32
        %dma_start3A_295 = arith.constant 0 : i32
        %dma_start3A_296 = tpu.memref_slice %arg6[%dma_start3A_293, %dma_start3A_294, %dma_start3A_295] : memref<5x128x16xi32, #tpu.memory_space<vmem>> -> memref<1x128x16xi32, #tpu.memory_space<vmem>>
        %dma_start3A_297 = tpu.memref_squeeze %dma_start3A_296 : memref<1x128x16xi32, #tpu.memory_space<vmem>> -> memref<128x16xi32, #tpu.memory_space<vmem>>
        %dma_start3A_298 = arith.constant 0 : i32
        %dma_start3A_299 = tpu.memref_slice %arg5[%sub3A_292, %dma_start3A_298] : memref<200x128xi32, #tpu.memory_space<vmem>> -> memref<1x128xi32, #tpu.memory_space<vmem>>
        %dma_start3A_300 = tpu.memref_squeeze %dma_start3A_299 : memref<1x128xi32, #tpu.memory_space<vmem>> -> memref<128xi32, #tpu.memory_space<vmem>>
        %dma_start3A_301 = arith.constant 0 : i32
        %dma_start3A_302 = arith.constant 0 : i32
        %dma_start3A_303 = tpu.memref_slice %arg2[%dma_start3A_301, %dma_start3A_302] : memref<100000x16xi32, #tpu.memory_space<hbm>> -> memref<100000x16xi32, #tpu.memory_space<hbm>>
        tpu.enqueue_indirect_dma source(%dma_start3A_303 : memref<100000x16xi32, #tpu.memory_space<hbm>>) target(%dma_start3A_297 : memref<128x16xi32, #tpu.memory_space<vmem>>) offsets(%dma_start3A_300 : memref<128xi32, #tpu.memory_space<vmem>>) semaphore(%arg9 : memref<!tpu.dma_semaphore, #tpu.memory_space<semaphore_mem>>)
      } else {
      }
      %dma_wait3A_218 = arith.constant 3 : i32
      %dma_wait3A_219 = arith.constant 0 : i32
      %dma_wait3A_220 = arith.constant 0 : i32
      %dma_wait3A_221 = tpu.memref_slice %arg6[%dma_wait3A_218, %dma_wait3A_219, %dma_wait3A_220] : memref<5x128x16xi32, #tpu.memory_space<vmem>> -> memref<1x128x16xi32, #tpu.memory_space<vmem>>
      %dma_wait3A_222 = tpu.memref_squeeze %dma_wait3A_221 : memref<1x128x16xi32, #tpu.memory_space<vmem>> -> memref<128x16xi32, #tpu.memory_space<vmem>>
      %dma_wait3A_223 = arith.constant 0 : i32
      %dma_wait3A_224 = tpu.memref_slice %arg5[%add3A_203, %dma_wait3A_223] : memref<200x128xi32, #tpu.memory_space<vmem>> -> memref<1x128xi32, #tpu.memory_space<vmem>>
      %dma_wait3A_225 = tpu.memref_squeeze %dma_wait3A_224 : memref<1x128xi32, #tpu.memory_space<vmem>> -> memref<128xi32, #tpu.memory_space<vmem>>
      %dma_wait3A_226 = arith.constant 0 : i32
      %dma_wait3A_227 = arith.constant 0 : i32
      %dma_wait3A_228 = tpu.memref_slice %arg2[%dma_wait3A_226, %dma_wait3A_227] : memref<100000x16xi32, #tpu.memory_space<hbm>> -> memref<100000x16xi32, #tpu.memory_space<hbm>>
      tpu.wait_indirect_dma semaphore(%arg10 : memref<!tpu.dma_semaphore, #tpu.memory_space<semaphore_mem>>) src(%dma_wait3A_228 : memref<100000x16xi32, #tpu.memory_space<hbm>>) dst(%dma_wait3A_222 : memref<128x16xi32, #tpu.memory_space<vmem>>)
      %dma_start3A_229 = arith.constant 3 : i32
      %dma_start3A_230 = arith.constant 0 : i32
      %dma_start3A_231 = arith.constant 0 : i32
      %dma_start3A_232 = tpu.memref_slice %arg6[%dma_start3A_229, %dma_start3A_230, %dma_start3A_231] : memref<5x128x16xi32, #tpu.memory_space<vmem>> -> memref<1x128x16xi32, #tpu.memory_space<vmem>>
      %dma_start3A_233 = tpu.memref_squeeze %dma_start3A_232 : memref<1x128x16xi32, #tpu.memory_space<vmem>> -> memref<128x16xi32, #tpu.memory_space<vmem>>
      %dma_start3A_234 = arith.constant 0 : i32
      %dma_start3A_235 = tpu.memref_slice %arg4[%mul3A_2, %add3A_203, %dma_start3A_234] : memref<4096x200x128xi32, #tpu.memory_space<hbm>> -> memref<128x1x16xi32, #tpu.memory_space<hbm>>
      %dma_start3A_236 = tpu.memref_squeeze %dma_start3A_235 : memref<128x1x16xi32, #tpu.memory_space<hbm>> -> memref<128x16xi32, #tpu.memory_space<hbm>>
      %dma_start3A_237 = arith.constant 0 : i32
      %dma_start3A_238 = tpu.memref_slice %arg4[%mul3A_2, %add3A_203, %dma_start3A_237] : memref<4096x200x128xi32, #tpu.memory_space<hbm>> -> memref<128x1x16xi32, #tpu.memory_space<hbm>>
      %dma_start3A_239 = tpu.memref_squeeze %dma_start3A_238 : memref<128x1x16xi32, #tpu.memory_space<hbm>> -> memref<128x16xi32, #tpu.memory_space<hbm>>
      %dma_start3A_240 = arith.constant 0 : i32
      %dma_start3A_241 = arith.constant 0 : i32
      %dma_start3A_242 = tpu.memref_slice %arg6[%dma_start3A_229, %dma_start3A_240, %dma_start3A_241] : memref<5x128x16xi32, #tpu.memory_space<vmem>> -> memref<1x128x16xi32, #tpu.memory_space<vmem>>
      %dma_start3A_243 = tpu.memref_squeeze %dma_start3A_242 : memref<1x128x16xi32, #tpu.memory_space<vmem>> -> memref<128x16xi32, #tpu.memory_space<vmem>>
      tpu.enqueue_dma source(%dma_start3A_243 : memref<128x16xi32, #tpu.memory_space<vmem>>) target(%dma_start3A_239 : memref<128x16xi32, #tpu.memory_space<hbm>>) target_semaphore(%arg15 : memref<!tpu.dma_semaphore, #tpu.memory_space<semaphore_mem>>)
      %mul3A_244 = arith.constant 5 : i32
      %mul3A_245 = arith.muli %scan3A_71, %mul3A_244 : i32
      %add3A_246 = arith.constant 4 : i32
      %add3A_247 = arith.addi %mul3A_245, %add3A_246 : i32
      %gt3A_248 = arith.constant 0 : i32
      %gt3A_249 = arith.cmpi sgt, %add3A_247, %gt3A_248 : i32
      %convert_element_type3A_250 = arith.extui %gt3A_249 : i1 to i32
      %cond3A_251 = arith.constant 0 : i32
      %cond3A_252 = arith.cmpi ne, %convert_element_type3A_250, %cond3A_251 : i32
      scf.if %cond3A_252 {
        %sub3A_289 = arith.constant 1 : i32
        %sub3A_290 = arith.subi %add3A_247, %sub3A_289 : i32
        %dma_wait3A_291 = arith.constant 3 : i32
        %dma_wait3A_292 = arith.constant 0 : i32
        %dma_wait3A_293 = arith.constant 0 : i32
        %dma_wait3A_294 = tpu.memref_slice %arg6[%dma_wait3A_291, %dma_wait3A_292, %dma_wait3A_293] : memref<5x128x16xi32, #tpu.memory_space<vmem>> -> memref<1x128x16xi32, #tpu.memory_space<vmem>>
        %dma_wait3A_295 = tpu.memref_squeeze %dma_wait3A_294 : memref<1x128x16xi32, #tpu.memory_space<vmem>> -> memref<128x16xi32, #tpu.memory_space<vmem>>
        %dma_wait3A_296 = arith.constant 0 : i32
        %dma_wait3A_297 = tpu.memref_slice %arg4[%mul3A_2, %sub3A_290, %dma_wait3A_296] : memref<4096x200x128xi32, #tpu.memory_space<hbm>> -> memref<128x1x16xi32, #tpu.memory_space<hbm>>
        %dma_wait3A_298 = tpu.memref_squeeze %dma_wait3A_297 : memref<128x1x16xi32, #tpu.memory_space<hbm>> -> memref<128x16xi32, #tpu.memory_space<hbm>>
        %dma_wait3A_299 = arith.constant 0 : i32
        %dma_wait3A_300 = tpu.memref_slice %arg4[%mul3A_2, %sub3A_290, %dma_wait3A_299] : memref<4096x200x128xi32, #tpu.memory_space<hbm>> -> memref<128x1x16xi32, #tpu.memory_space<hbm>>
        %dma_wait3A_301 = tpu.memref_squeeze %dma_wait3A_300 : memref<128x1x16xi32, #tpu.memory_space<hbm>> -> memref<128x16xi32, #tpu.memory_space<hbm>>
        %dma_wait3A_302 = arith.constant 0 : i32
        %dma_wait3A_303 = arith.constant 0 : i32
        %dma_wait3A_304 = tpu.memref_slice %arg6[%dma_wait3A_291, %dma_wait3A_302, %dma_wait3A_303] : memref<5x128x16xi32, #tpu.memory_space<vmem>> -> memref<1x128x16xi32, #tpu.memory_space<vmem>>
        %dma_wait3A_305 = tpu.memref_squeeze %dma_wait3A_304 : memref<1x128x16xi32, #tpu.memory_space<vmem>> -> memref<128x16xi32, #tpu.memory_space<vmem>>
        tpu.wait_dma2 semaphore(%arg15 : memref<!tpu.dma_semaphore, #tpu.memory_space<semaphore_mem>>) src(%dma_wait3A_305 : memref<128x16xi32, #tpu.memory_space<vmem>>) dst(%dma_wait3A_301 : memref<128x16xi32, #tpu.memory_space<hbm>>)
      } else {
      }
      %add3A_253 = arith.constant 5 : i32
      %add3A_254 = arith.addi %add3A_247, %add3A_253 : i32
      %sub3A_255 = arith.constant 1 : i32
      %sub3A_256 = arith.subi %add3A_254, %sub3A_255 : i32
      %lt3A_257 = arith.constant 200 : i32
      %lt3A_258 = arith.cmpi slt, %sub3A_256, %lt3A_257 : i32
      %convert_element_type3A_259 = arith.extui %lt3A_258 : i1 to i32
      %cond3A_260 = arith.constant 0 : i32
      %cond3A_261 = arith.cmpi ne, %convert_element_type3A_259, %cond3A_260 : i32
      scf.if %cond3A_261 {
        %add3A_289 = arith.constant 5 : i32
        %add3A_290 = arith.addi %add3A_247, %add3A_289 : i32
        %sub3A_291 = arith.constant 1 : i32
        %sub3A_292 = arith.subi %add3A_290, %sub3A_291 : i32
        %dma_start3A_293 = arith.constant 3 : i32
        %dma_start3A_294 = arith.constant 0 : i32
        %dma_start3A_295 = arith.constant 0 : i32
        %dma_start3A_296 = tpu.memref_slice %arg6[%dma_start3A_293, %dma_start3A_294, %dma_start3A_295] : memref<5x128x16xi32, #tpu.memory_space<vmem>> -> memref<1x128x16xi32, #tpu.memory_space<vmem>>
        %dma_start3A_297 = tpu.memref_squeeze %dma_start3A_296 : memref<1x128x16xi32, #tpu.memory_space<vmem>> -> memref<128x16xi32, #tpu.memory_space<vmem>>
        %dma_start3A_298 = arith.constant 0 : i32
        %dma_start3A_299 = tpu.memref_slice %arg5[%sub3A_292, %dma_start3A_298] : memref<200x128xi32, #tpu.memory_space<vmem>> -> memref<1x128xi32, #tpu.memory_space<vmem>>
        %dma_start3A_300 = tpu.memref_squeeze %dma_start3A_299 : memref<1x128xi32, #tpu.memory_space<vmem>> -> memref<128xi32, #tpu.memory_space<vmem>>
        %dma_start3A_301 = arith.constant 0 : i32
        %dma_start3A_302 = arith.constant 0 : i32
        %dma_start3A_303 = tpu.memref_slice %arg2[%dma_start3A_301, %dma_start3A_302] : memref<100000x16xi32, #tpu.memory_space<hbm>> -> memref<100000x16xi32, #tpu.memory_space<hbm>>
        tpu.enqueue_indirect_dma source(%dma_start3A_303 : memref<100000x16xi32, #tpu.memory_space<hbm>>) target(%dma_start3A_297 : memref<128x16xi32, #tpu.memory_space<vmem>>) offsets(%dma_start3A_300 : memref<128xi32, #tpu.memory_space<vmem>>) semaphore(%arg10 : memref<!tpu.dma_semaphore, #tpu.memory_space<semaphore_mem>>)
      } else {
      }
      %dma_wait3A_262 = arith.constant 4 : i32
      %dma_wait3A_263 = arith.constant 0 : i32
      %dma_wait3A_264 = arith.constant 0 : i32
      %dma_wait3A_265 = tpu.memref_slice %arg6[%dma_wait3A_262, %dma_wait3A_263, %dma_wait3A_264] : memref<5x128x16xi32, #tpu.memory_space<vmem>> -> memref<1x128x16xi32, #tpu.memory_space<vmem>>
      %dma_wait3A_266 = tpu.memref_squeeze %dma_wait3A_265 : memref<1x128x16xi32, #tpu.memory_space<vmem>> -> memref<128x16xi32, #tpu.memory_space<vmem>>
      %dma_wait3A_267 = arith.constant 0 : i32
      %dma_wait3A_268 = tpu.memref_slice %arg5[%add3A_247, %dma_wait3A_267] : memref<200x128xi32, #tpu.memory_space<vmem>> -> memref<1x128xi32, #tpu.memory_space<vmem>>
      %dma_wait3A_269 = tpu.memref_squeeze %dma_wait3A_268 : memref<1x128xi32, #tpu.memory_space<vmem>> -> memref<128xi32, #tpu.memory_space<vmem>>
      %dma_wait3A_270 = arith.constant 0 : i32
      %dma_wait3A_271 = arith.constant 0 : i32
      %dma_wait3A_272 = tpu.memref_slice %arg2[%dma_wait3A_270, %dma_wait3A_271] : memref<100000x16xi32, #tpu.memory_space<hbm>> -> memref<100000x16xi32, #tpu.memory_space<hbm>>
      tpu.wait_indirect_dma semaphore(%arg11 : memref<!tpu.dma_semaphore, #tpu.memory_space<semaphore_mem>>) src(%dma_wait3A_272 : memref<100000x16xi32, #tpu.memory_space<hbm>>) dst(%dma_wait3A_266 : memref<128x16xi32, #tpu.memory_space<vmem>>)
      %dma_start3A_273 = arith.constant 4 : i32
      %dma_start3A_274 = arith.constant 0 : i32
      %dma_start3A_275 = arith.constant 0 : i32
      %dma_start3A_276 = tpu.memref_slice %arg6[%dma_start3A_273, %dma_start3A_274, %dma_start3A_275] : memref<5x128x16xi32, #tpu.memory_space<vmem>> -> memref<1x128x16xi32, #tpu.memory_space<vmem>>
      %dma_start3A_277 = tpu.memref_squeeze %dma_start3A_276 : memref<1x128x16xi32, #tpu.memory_space<vmem>> -> memref<128x16xi32, #tpu.memory_space<vmem>>
      %dma_start3A_278 = arith.constant 0 : i32
      %dma_start3A_279 = tpu.memref_slice %arg4[%mul3A_2, %add3A_247, %dma_start3A_278] : memref<4096x200x128xi32, #tpu.memory_space<hbm>> -> memref<128x1x16xi32, #tpu.memory_space<hbm>>
      %dma_start3A_280 = tpu.memref_squeeze %dma_start3A_279 : memref<128x1x16xi32, #tpu.memory_space<hbm>> -> memref<128x16xi32, #tpu.memory_space<hbm>>
      %dma_start3A_281 = arith.constant 0 : i32
      %dma_start3A_282 = tpu.memref_slice %arg4[%mul3A_2, %add3A_247, %dma_start3A_281] : memref<4096x200x128xi32, #tpu.memory_space<hbm>> -> memref<128x1x16xi32, #tpu.memory_space<hbm>>
      %dma_start3A_283 = tpu.memref_squeeze %dma_start3A_282 : memref<128x1x16xi32, #tpu.memory_space<hbm>> -> memref<128x16xi32, #tpu.memory_space<hbm>>
      %dma_start3A_284 = arith.constant 0 : i32
      %dma_start3A_285 = arith.constant 0 : i32
      %dma_start3A_286 = tpu.memref_slice %arg6[%dma_start3A_273, %dma_start3A_284, %dma_start3A_285] : memref<5x128x16xi32, #tpu.memory_space<vmem>> -> memref<1x128x16xi32, #tpu.memory_space<vmem>>
      %dma_start3A_287 = tpu.memref_squeeze %dma_start3A_286 : memref<1x128x16xi32, #tpu.memory_space<vmem>> -> memref<128x16xi32, #tpu.memory_space<vmem>>
      tpu.enqueue_dma source(%dma_start3A_287 : memref<128x16xi32, #tpu.memory_space<vmem>>) target(%dma_start3A_283 : memref<128x16xi32, #tpu.memory_space<hbm>>) target_semaphore(%arg16 : memref<!tpu.dma_semaphore, #tpu.memory_space<semaphore_mem>>)
      %scan3A_288 = arith.constant 0 : i32
      scf.yield %scan3A_288 : i32
    }
    %scan3A_55 = arith.constant 40 : i32
    %dma_wait3A = arith.constant 4 : i32
    %dma_wait3A_56 = arith.constant 199 : i32
    %dma_wait3A_57 = arith.constant 0 : i32
    %dma_wait3A_58 = arith.constant 0 : i32
    %dma_wait3A_59 = tpu.memref_slice %arg6[%dma_wait3A, %dma_wait3A_57, %dma_wait3A_58] : memref<5x128x16xi32, #tpu.memory_space<vmem>> -> memref<1x128x16xi32, #tpu.memory_space<vmem>>
    %dma_wait3A_60 = tpu.memref_squeeze %dma_wait3A_59 : memref<1x128x16xi32, #tpu.memory_space<vmem>> -> memref<128x16xi32, #tpu.memory_space<vmem>>
    %dma_wait3A_61 = arith.constant 0 : i32
    %dma_wait3A_62 = tpu.memref_slice %arg4[%mul3A_2, %dma_wait3A_56, %dma_wait3A_61] : memref<4096x200x128xi32, #tpu.memory_space<hbm>> -> memref<128x1x16xi32, #tpu.memory_space<hbm>>
    %dma_wait3A_63 = tpu.memref_squeeze %dma_wait3A_62 : memref<128x1x16xi32, #tpu.memory_space<hbm>> -> memref<128x16xi32, #tpu.memory_space<hbm>>
    %dma_wait3A_64 = arith.constant 0 : i32
    %dma_wait3A_65 = tpu.memref_slice %arg4[%mul3A_2, %dma_wait3A_56, %dma_wait3A_64] : memref<4096x200x128xi32, #tpu.memory_space<hbm>> -> memref<128x1x16xi32, #tpu.memory_space<hbm>>
    %dma_wait3A_66 = tpu.memref_squeeze %dma_wait3A_65 : memref<128x1x16xi32, #tpu.memory_space<hbm>> -> memref<128x16xi32, #tpu.memory_space<hbm>>
    %dma_wait3A_67 = arith.constant 0 : i32
    %dma_wait3A_68 = arith.constant 0 : i32
    %dma_wait3A_69 = tpu.memref_slice %arg6[%dma_wait3A, %dma_wait3A_67, %dma_wait3A_68] : memref<5x128x16xi32, #tpu.memory_space<vmem>> -> memref<1x128x16xi32, #tpu.memory_space<vmem>>
    %dma_wait3A_70 = tpu.memref_squeeze %dma_wait3A_69 : memref<1x128x16xi32, #tpu.memory_space<vmem>> -> memref<128x16xi32, #tpu.memory_space<vmem>>
    tpu.wait_dma2 semaphore(%arg16 : memref<!tpu.dma_semaphore, #tpu.memory_space<semaphore_mem>>) src(%dma_wait3A_70 : memref<128x16xi32, #tpu.memory_space<vmem>>) dst(%dma_wait3A_66 : memref<128x16xi32, #tpu.memory_space<hbm>>)
    return
  }
}

</mosaic_0001>

<sc_bundles>
// kernel: _sc_gather_t.3.cloned.1.call-start
scs
__scs_entry_jumppad:
0x0: {  	(pc) =	sbr.rel $0x88, $3  }
0x1: {  	(tag) =	ssettag $0x0;
	lr =	simm.s32 $0x1  }
0x2: {  	[smem:$0x3F9F] =	sst lr;
	_ =	strace $0xD0000000  }
0x3: {  	_ = 	snop  }
0x4: {  	_ = 	snop  }
0x5: {  	_ = 	snop  }
0x6: {  	_ = 	snop  }
0x7: {  	_ = 	snop  }
__scs_overlays_trampoline_lowered:
0x8: {  	[smem:$0x3FAE] =	sst s0  }
0x9: {  	[smem:$0x3FAF] =	sst s1  }
0xa: {  	[smem:$0x3FB0] =	sst s2  }
0xb: {  	[smem:$0x3FB1] =	sst s3  }
0xc: {  	[smem:$0x3FB2] =	sst s4  }
0xd: {  	[smem:$0x3FB3] =	sst s5  }
0xe: {  	[smem:$0x3FB4] =	sst s6  }
0xf: {  	[smem:$0x3FB5] =	sst s7  }
0x10: {  	[smem:$0x3FB6] =	sst s8  }
0x11: {  	[smem:$0x3FB7] =	sst s9;
	s0 =	simm.s32 @!p0 $0x0  }
0x12: {  	s1 =	sld [smem:$0x3F9D];
	s0 =	simm.s32 @p0 $0x1  }
0x13: {  	[smem:$0x3FB8] =	sst s0;
	s0 =	simm.s32 @!p1 $0x0  }
0x14: {  	s2 =	sld [smem:$0x3F9C];
	s0 =	simm.s32 @p1 $0x1  }
0x15: {  	[smem:$0x3FB9] =	sst s0;
	s0 =	simm.s32 @!p2 $0x0  }
0x16: {  	s3 =	sld [smem:$0x3FDB];
	s0 =	simm.s32 @p2 $0x1  }
0x17: {  	s4 =	simm.s32 $0x1BF5;
	[smem:$0x3FBB] =	sst s0  }
0x18: {  	s0 =	sld [smem:$0x3F9E];
	_ =	swait.ge [sflag:s4], $0x0  }
0x19: {  	s7 =	sld [smem:$0x3F9F]  }
0x1a: {  	s8 =	sadd.s32 $0xFFFFE003, lr  }
0x1b: {  	s9 =	sadd.s32 $0xFFFFFEF7, lr;
	s5 =	simm.s32 $0xFFFFFFFF;
	p2 =	slt.u32 s8, $0xFFFFF086  }
0x1c: {  	p1 =	slt.u32 s9, $0xF7A;
	s5 =	simm.s32 @!p2 $0x0  }
0x1d: {  	s5 =	simm.s32 @p1 $0x1;
	p0 =	seq.s32 s7, s2  }
0x1e: {  	s7 =	smul.u32 @!p0 $0xF7A, s2;
	p2 =	seq.s32 @!p0 s5, $0x0  }
0x1f: {  	s9 =	smul.u32 $0xF7A, s1;
	s8 =	simm.s32 @!p0 $0x1BF5;
	p2 =	por !p2, p0  }
0x20: {  	[sflag:s8] =	ssyncset.s32 @!p0 $0xFFFFF086;
	s6 =	sadd.s32 @!p0 s3, s7;
	s7 =	simm.s32 @!p0 $0x108  }
0x21: {  	s3 =	sadd.s32 s3, s9;
	s6 =	sadd.s32 @!p0 $0x88, s6;
	s7 =	simm.s32 @p2 $0x1082  }
0x22: {  	[simem:s7], [sflag:s8] =	dma.local @!p0 [hbm:s6], $0xF7A  }
0x23: {  	s9 =	sor.u32 $0xD0000000, s2;
	s6 =	simm.s32 $0x108;
	_ =	swait.ge @!p0 [sflag:s8], $0x0  }
0x24: {  	s3 =	sadd.s32 $0x88, s3;
	s6 =	simm.s32 @!p1 $0x1082;
	[sflag:s4] =	ssyncset.s32 $0xFFFFF086  }
0x25: {  	[simem:s6], [sflag:s4] =	dma.local [hbm:s3], $0xF7A  }
0x26: {  	[smem:$0x3F9F] =	sst s1;
	(tag) =	ssettag s2;
	_ =	strace s9  }
0x27: {  	s1 =	sld [smem:$0x3FAF]  }
0x28: {  	s2 =	sld [smem:$0x3FB0]  }
0x29: {  	s4 =	sld [smem:$0x3FB2]  }
0x2a: {  	p0 =	seq.s32 s5, $0x0;
	s5 =	sld [smem:$0x3FB3]  }
0x2b: {  	s6 =	sld [smem:$0x3FB4]  }
0x2c: {  	s7 =	sld [smem:$0x3FB5]  }
0x2d: {  	s3 =	simm.s32 $0x108;
	s8 =	sld [smem:$0x3FB6]  }
0x2e: {  	s3 =	simm.s32 @!p0 $0x1082;
	s9 =	sld [smem:$0x3FB7]  }
0x2f: {  	lr =	sadd.s32 s0, s3;
	s0 =	sld [smem:$0x3FAE]  }
0x30: {  	s3 =	sld [smem:$0x3FB1]  }
0x31: {  	[smem:$0x3FBA] =	sst s10  }
0x32: {  	s10 =	sld [smem:$0x3FB8];
	_ =	sdelay $0x3  }
0x33: {  	p0 =	seq.s32 s10, $0x1;
	s10 =	sld [smem:$0x3FBA];
	_ =	sdelay $0x3  }
0x34: {  	[smem:$0x3FBA] =	sst s10  }
0x35: {  	s10 =	sld [smem:$0x3FB9];
	_ =	sdelay $0x3  }
0x36: {  	p1 =	seq.s32 s10, $0x1;
	s10 =	sld [smem:$0x3FBA];
	_ =	sdelay $0x3  }
0x37: {  	[smem:$0x3FBA] =	sst s10  }
0x38: {  	s10 =	sld [smem:$0x3FBB]  }
0x39: {  	_ = 	snop;
	(pc) =	sbr.ind lr, $3  }
0x3a: {  	_ = 	snop  }
0x3b: {  	_ = 	snop  }
0x3c: {  	p2 =	seq.s32 s10, $0x1;
	s10 =	sld [smem:$0x3FBA]  }
0x3d: {  	_ =	shalt  }
0x3e: {  	_ =	shalt  }
0x3f: {  	_ =	shalt  }
0x40: {  	_ =	shalt  }
0x41: {  	_ =	shalt  }
0x42: {  	_ =	shalt  }
0x43: {  	_ =	shalt  }
0x44: {  	_ =	shalt  }
0x45: {  	_ =	shalt  }
0x46: {  	_ =	shalt  }
0x47: {  	_ =	shalt  }
0x48: {  	_ =	shalt  }
0x49: {  	_ =	shalt  }
0x4a: {  	_ =	shalt  }
0x4b: {  	_ =	shalt  }
0x4c: {  	_ =	shalt  }
0x4d: {  	_ =	shalt  }
0x4e: {  	_ =	shalt  }
0x4f: {  	_ =	shalt  }
0x50: {  	_ =	shalt  }
0x51: {  	_ =	shalt  }
0x52: {  	_ =	shalt  }
0x53: {  	_ =	shalt  }
0x54: {  	_ =	shalt  }
0x55: {  	_ =	shalt  }
0x56: {  	_ =	shalt  }
0x57: {  	_ =	shalt  }
0x58: {  	_ =	shalt  }
0x59: {  	_ =	shalt  }
0x5a: {  	_ =	shalt  }
0x5b: {  	_ =	shalt  }
0x5c: {  	_ =	shalt  }
0x5d: {  	_ =	shalt  }
0x5e: {  	_ =	shalt  }
0x5f: {  	_ =	shalt  }
0x60: {  	_ =	shalt  }
0x61: {  	_ =	shalt  }
0x62: {  	_ =	shalt  }
0x63: {  	_ =	shalt  }
0x64: {  	_ =	shalt  }
0x65: {  	_ =	shalt  }
0x66: {  	_ =	shalt  }
0x67: {  	_ =	shalt  }
0x68: {  	_ =	shalt  }
0x69: {  	_ =	shalt  }
0x6a: {  	_ =	shalt  }
0x6b: {  	_ =	shalt  }
0x6c: {  	_ =	shalt  }
0x6d: {  	_ =	shalt  }
0x6e: {  	_ =	shalt  }
0x6f: {  	_ =	shalt  }
0x70: {  	_ =	shalt  }
0x71: {  	_ =	shalt  }
0x72: {  	_ =	shalt  }
0x73: {  	_ =	shalt  }
0x74: {  	_ =	shalt  }
0x75: {  	_ =	shalt  }
0x76: {  	_ =	shalt  }
0x77: {  	_ =	shalt  }
0x78: {  	_ =	shalt  }
0x79: {  	_ =	shalt  }
0x7a: {  	_ =	shalt  }
0x7b: {  	_ =	shalt  }
0x7c: {  	_ =	shalt  }
0x7d: {  	_ =	shalt  }
0x7e: {  	_ =	shalt  }
0x7f: {  	_ =	shalt  }
0x80: {  	_ =	shalt  }
0x81: {  	_ =	shalt  }
0x82: {  	_ =	shalt  }
0x83: {  	_ =	shalt  }
0x84: {  	_ =	shalt  }
0x85: {  	_ =	shalt  }
0x86: {  	_ =	shalt  }
0x87: {  	_ =	shalt  }
.Lfunc_end0:
.L_simem_size_0:
called_computation_lowered:
.L_overlay_start_0:
0x88: {  	s2 =	sld [smem:$0x3FD9]  }
0x89: {  	s3 =	sld [smem:$0x3FFE];
	_ =	sdelay $0x1  }
0x8a: {  	s1 =	srdreg.scid  }
0x8b: {  	s0 =	sand.u32 $0x1, s1  }
0x8c: {  	s17 =	sshll.u32 s0, $0xA;
	s2 =	sadd.s32 s3, s2  }
0x8d: {  	s2 =	sadd.s32 s2, s17  }
0x8e: {  	[smem:$0x3FC6] =	sst s2  }
0x8f: {  	_ = 	snop  }
0x90: {  	s2 =	sld [smem:$0x3FD0];
	(tm) =	ssettm $0x1  }
0x91: {  	s18 =	sld [smem:$0x3FFB];
	_ =	sdelay $0x3  }
0x92: {  	_ =	strace s18  }
0x93: {  	s3 =	sld [smem:$0x3FFC];
	_ =	sdelay $0x3  }
0x94: {  	_ =	strace s3  }
0x95: {  	s3 =	sld [smem:$0x3FFD];
	_ =	sdelay $0x3  }
0x96: {  	_ =	strace s3  }
0x97: {  	_ =	strace $0x8FFFFFFF  }
0x98: {  	s19 =	sld [smem:$0x3FDB];
	_ =	sdelay $0x1  }
0x99: {  	s4 =	simm.s32 $_scs_section_size  }
0x9a: {  	s5 =	simm.s32 $_size__tile_overlayer_lowered;
	s6 =	simm.s32 $_tile_overlayer_lowered  }
0x9b: {  	s22 =	simm.s32 $0x1BFF;
	s21 =	sshll.u32 s6, $0x1;
	s3 =	sadd.s32 s4, s19  }
0x9c: {  	s7 =	simm.s32 $0x0;
	s20 =	sshll.u32 s5, $0x1;
	s5 =	sadd.s32 s21, s3  }
0x9d: {  	[timem:s7], [sflag:s22] =	dma.local [hbm:s5], s20  }
0x9e: {  	_ =	swait.ge [sflag:s22], s20  }
0x9f: {  	s4 =	ssub.s32 $0x0, s20;
	[sflag:s22] =	ssyncset.done $0x0  }
0xa0: {  	[sflag:s22] =	ssyncadd.s32 s4;
	_ =	sdelay $0x1  }
0xa1: {  	s23 =	simm.s32 $0x1B8B  }
0xa2: {  	_ =	swait.ge [sflag:s23], $0x1  }
0xa3: {  	[sflag:s23] =	ssyncset.done $0x0  }
0xa4: {  	s25 =	simm.s32 $0x1B8E;
	s24 =	sld [smem:$0x3FFE];
	[sflag:s23] =	ssyncadd.s32 $0xFFFFFFFF  }
0xa5: {  	s26 =	simm.s32 $execute0_lowered;
	[smem:$0x3FD2] =	sst s25  }
0xa6: {  	s5 =	sshll.u32 s26, $0x1;
	_ =	strace $0x80000046;
	[dreg:$0x1] =	wrdreg $0xFFFFFFFF  }
0xa7: {  	s28 =	simm.s32 $_size_execute0_lowered;
	s3 =	sadd.s32 s3, s5;
	[dreg:$0x0] =	wrdreg $0x0  }
0xa8: {  	s5 =	sshll.u32 s28, $0x1;
	[dreg:$0x2] =	wrdreg s3  }
0xa9: {  	[dreg:$0x3] =	wrdreg s5  }
0xaa: {  	[dreg:$0x4] =	wrdreg $0xC0  }
0xab: {  	_ =	task [dreg:s7], $0x5FFFF  }
0xac: {  	[dreg:$0x1] =	wrdreg $0xFFFFFFFF  }
0xad: {  	[dreg:$0x0] =	wrdreg $0x60  }
0xae: {  	[dreg:$0x2] =	wrdreg s24  }
0xaf: {  	[dreg:$0x3] =	wrdreg s2  }
0xb0: {  	[dreg:$0x4] =	wrdreg $0x9  }
0xb1: {  	_ =	task.clear_ibuf [dreg:s7], $0x5FFFF;
	_ =	strace $0x90000046  }
0xb2: {  	s29 =	simm.s32 $0x9;
	_ =	strace $0x80000048  }
0xb3: {  	_ =	swait.ge [sflag:s29], $0x1  }
0xb4: {  	[sflag:s29] =	ssyncadd.s32 $0xFFFFFFFF  }
0xb5: {  	_ =	strace $0x90000048  }
0xb6: {  	_ =	sfence  }
0xb7: {  	s30 =	sld [smem:$0x0];
	_ =	sdelay $0x2  }
0xb8: {  	s31 =	sshll.u32 s1, $0xD;
	s1 =	sshrl.u32 s1, $0x2  }
0xb9: {  	s3 =	sand.u32 $0x4000, s31;
	s1 =	sadd.s32 s1, s30  }
0xba: {  	s0 =	sor.u32 s3, s0;
	s1 =	sshll.u32 s1, $0x11  }
0xbb: {  	s0 =	sor.u32 s1, s0  }
0xbc: {  	s0 =	sadd.s32 $0x8F2B, s0  }
0xbd: {  	[sflag:s0] =	ssyncadd.remote.s32 $0x1  }
0xbe: {  	_ =	sfence.sel $0xFFFF  }
0xbf: {  	[dreg:$0x0] =	wrdreg $0xFFFFFFFF;
	(pc) =	sbr.abs _section_cstart, $3  }
0xc0: {  	[dreg:$0x1] =	wrdreg $0xFFFFFFFF  }
0xc1: {  	_ =	task.clear_ibuf [dreg:s7], $0x2FFFF;
	_ =	strace $0x9FFFFFFF  }
0xc2: {  	(tm) =	ssettm $0x7FFFFFFF  }
0xc3: {  	_ =	shalt  }
tec
execute0_lowered:
.L_overlay_start_1:
0x0: {  	(tag) =	ssettag $0x1  }
0x1: {  	s0 =	rddreg [dreg:$0x0]  }
0x2: {  	s1 =	rddreg [dreg:$0x1];
	s3 =	simm.s32 $0x0  }
0x3: {  	s2 =	srdreg.scid;
	s5 =	stileid.u32;
	s11 =	simm.s32 $0x80  }
0x4: {  	s14 =	simm.s32 $0x6400;
	s15 =	simm.s32 $0x6C00;
	s28 =	simm.s32 $0x8  }
0x5: {  	s29 =	simm.s32 $0x4;
	s30 =	simm.s32 $0x9;
	s31 =	simm.s32 $0x5  }
0x6: {  	[smem:$0x7FF] =	sst s3;
	s2 =	sand.u32 $0x1, s2;
	s17 =	sshll.u32 s5, $0x8  }
0x7: {  	s5 =	smul.u32 $0x640000, s5;
	s3 =	sadd.s32 $0x19600, s0;
	s4 =	sshll.u32 s2, $0x7  }
0x8: {  	_ =	strace $0x80000047;
	s6 =	smul.u32 $0x320000, s2;
	s2 =	ssub.s32 $0x2, s2  }
0x9: {  	s4 =	sor.u32 s4, s17;
	s18 =	sshrl.u32 s2, $0x1;
	s17 =	simm.s32 $0x7400  }
0xa: {  	s4 =	sshrl.u32 s4, $0x3;
	s5 =	sadd.s32 s6, s5;
	s2 =	ssub.s32 s2, s18  }
0xb: {  	s0 =	sadd.s32 s4, s0;
	s19 =	sor.u32 $0x180, s5;
	s2 =	smax.u32 s2, $0x1  }
0xc: {  	s20 =	sor.u32 $0x100, s5;
	s22 =	sor.u32 $0x80, s5;
	s24 =	sor.u32 $0x200, s5  }
0xd: {  	s25 =	sshrl.u32 s5, $0x3;
	s0 =	sadd.s32 $0x600, s0;
	[dreg:$0x4] =	wrdreg s2  }
0xe: {  	s21 =	sshrl.u32 s20, $0x3;
	s23 =	sshrl.u32 s22, $0x3;
	s2 =	sshrl.u32 s24, $0x3  }
0xf: {  	s20 =	simm.s32 $0x8400;
	s22 =	simm.s32 $0x10;
	s24 =	simm.s32 $0x2  }
0x10: {  	[dreg:$0x3] =	wrdreg s0;
	s0 =	sshrl.u32 s19, $0x3;
	s26 =	sadd.s32 s2, s1  }
0x11: {  	s19 =	simm.s32 $0x7C00;
	s0 =	sadd.s32 s0, s1;
	[dreg:$0x9] =	wrdreg s26  }
0x12: {  	s26 =	simm.s32 $0x3;
	[dreg:$0x5] =	wrdreg s0;
	s0 =	sadd.s32 s21, s1  }
0x13: {  	s21 =	simm.s32 $0x1;
	[dreg:$0x6] =	wrdreg s0;
	s0 =	sadd.s32 s23, s1  }
0x14: {  	s23 =	simm.s32 $0x6;
	[dreg:$0x7] =	wrdreg s0;
	s0 =	sadd.s32 s25, s1  }
0x15: {  	s25 =	simm.s32 $0x7;
	s1 =	simm.s32 $0x0;
	[dreg:$0x8] =	wrdreg s0  }
.LBB2_1:
0x16: {  	s0 =	simm.s32 $0x0  }
0x17: {  	s2 =	rddreg [dreg:$0x3];
	s4 =	simm.s32 $0x1000;
	s12 =	simm.s32 $0xB  }
0x18: {  	[tilespmem:s0], [sflag:$0xB] =	stream.strided.gather [hbm4b:s2+s11], $0x6400, s4, s11, $0x38;
	[tilespmem:$0x8C00] =	vst v63  }
0x19: {  	_ =	swait.ge [sflag:s12], $0x6400  }
0x1a: {  	[sflag:s12] =	ssyncset.done $0x0  }
0x1b: {  	[sflag:s12] =	ssyncadd.s32 $0xFFFF9C00  }
0x1c: {  	[tilespmem:s14], [sflag:$0x1] =	stream.indirect.gather [hbm4b:s3+s11], $0x10, s0, s11, $0xb8;
	[tilespmem:$0x8C00] =	vst v63  }
0x1d: {  	_ = 	snop  }
0x1e: {  	[tilespmem:s15], [sflag:$0x2] =	stream.indirect.gather [hbm4b:s3+s11], $0x10, s11, s11, $0xb8;
	[tilespmem:$0x8C00] =	vst v63  }
0x1f: {  	s13 =	simm.s32 $0x100;
	p0 =	por $0x1, $0x1  }
0x20: {  	[tilespmem:s17], [sflag:$0x3] =	stream.indirect.gather [hbm4b:s3+s11], $0x10, s13, s11, $0xb8;
	[tilespmem:$0x8C00] =	vst v63  }
0x21: {  	s16 =	simm.s32 $0x180;
	s2 =	simm.s32 @!p0 $0xA  }
0x22: {  	[tilespmem:s19], [sflag:$0x4] =	stream.indirect.gather [hbm4b:s3+s11], $0x10, s16, s11, $0xb8;
	[tilespmem:$0x8C00] =	vst v63  }
0x23: {  	_ =	swait.ge @!p0 [sflag:s2], $0x800  }
0x24: {  	[sflag:s2] =	ssyncset.done @!p0 $0x0  }
0x25: {  	s18 =	simm.s32 $0x200;
	[sflag:s2] =	ssyncadd.s32 @!p0 $0xFFFFF800  }
0x26: {  	[tilespmem:s20], [sflag:$0x5] =	stream.indirect.gather [hbm4b:s3+s11], $0x10, s18, s11, $0xb8;
	[tilespmem:$0x8C00] =	vst v63  }
0x27: {  	_ =	swait.ge [sflag:s21], $0x800  }
0x28: {  	[sflag:s21] =	ssyncset.done $0x0  }
0x29: {  	s8 =	rddreg [dreg:$0x8];
	[sflag:s21] =	ssyncadd.s32 $0xFFFFF800  }
0x2a: {  	[hbm4b:s8+s22] =	stream.strided.scatter [tilespmem:s14], [sflag:$0x6], $0x800, s14, s22, $0x38;
	[tilespmem:$0x8C00] =	vst v63  }
0x2b: {  	p0 =	por $0x0, $0x0;
	_ =	swait.ge [sflag:s23], $0x800  }
0x2c: {  	s2 =	simm.s32 @!p0 $0x6400;
	[sflag:s23] =	ssyncset.done $0x0  }
0x2d: {  	s4 =	simm.s32 @!p0 $0x280;
	s10 =	simm.s32 @!p0 $0x80;
	[sflag:s23] =	ssyncadd.s32 $0xFFFFF800  }
0x2e: {  	[tilespmem:s2], [sflag:$0x1] =	stream.indirect.gather @!p0 [hbm4b:s3+s10], $0x10, s4, s10, $0xb8;
	[tilespmem:$0x8C00] =	vst v63  }
0x2f: {  	_ =	swait.ge [sflag:s24], $0x800  }
0x30: {  	[sflag:s24] =	ssyncset.done $0x0  }
0x31: {  	s7 =	rddreg [dreg:$0x7];
	[sflag:s24] =	ssyncadd.s32 $0xFFFFF800  }
0x32: {  	[hbm4b:s7+s22] =	stream.strided.scatter [tilespmem:s15], [sflag:$0x7], $0x800, s14, s22, $0x38;
	[tilespmem:$0x8C00] =	vst v63  }
0x33: {  	_ =	swait.ge [sflag:s25], $0x800  }
0x34: {  	[sflag:s25] =	ssyncset.done $0x0  }
0x35: {  	s2 =	simm.s32 @!p0 $0x300;
	s4 =	simm.s32 @!p0 $0x6C00;
	[sflag:s25] =	ssyncadd.s32 $0xFFFFF800  }
0x36: {  	[tilespmem:s4], [sflag:$0x2] =	stream.indirect.gather @!p0 [hbm4b:s3+s10], $0x10, s2, s10, $0xb8;
	[tilespmem:$0x8C00] =	vst v63  }
0x37: {  	_ =	swait.ge [sflag:s26], $0x800  }
0x38: {  	[sflag:s26] =	ssyncset.done $0x0  }
0x39: {  	s6 =	rddreg [dreg:$0x6];
	[sflag:s26] =	ssyncadd.s32 $0xFFFFF800  }
0x3a: {  	[hbm4b:s6+s22] =	stream.strided.scatter [tilespmem:s17], [sflag:$0x8], $0x800, s14, s22, $0x38;
	[tilespmem:$0x8C00] =	vst v63  }
0x3b: {  	_ =	swait.ge [sflag:s28], $0x800  }
0x3c: {  	[sflag:s28] =	ssyncset.done $0x0  }
0x3d: {  	s2 =	simm.s32 @!p0 $0x380;
	s4 =	simm.s32 @!p0 $0x7400;
	[sflag:s28] =	ssyncadd.s32 $0xFFFFF800  }
0x3e: {  	[tilespmem:s4], [sflag:$0x3] =	stream.indirect.gather @!p0 [hbm4b:s3+s10], $0x10, s2, s10, $0xb8;
	[tilespmem:$0x8C00] =	vst v63  }
0x3f: {  	_ =	swait.ge [sflag:s29], $0x800  }
0x40: {  	s5 =	simm.s32 $0xA00;
	[sflag:s29] =	ssyncset.done $0x0  }
0x41: {  	p1 =	por $0x0, $0x0;
	s0 =	rddreg [dreg:$0x5];
	[sflag:s29] =	ssyncadd.s32 $0xFFFFF800  }
0x42: {  	[hbm4b:s0+s22] =	stream.strided.scatter [tilespmem:s19], [sflag:$0x9], $0x800, s14, s22, $0x38;
	[tilespmem:$0x8C00] =	vst v63  }
0x43: {  	s13 =	simm.s32 $0x1400;
	s16 =	simm.s32 @!p0 $0x7C00;
	_ =	swait.ge [sflag:s30], $0x800  }
0x44: {  	s18 =	sadd.s32 $0x50, s6;
	s2 =	simm.s32 @!p0 $0x400;
	[sflag:s30] =	ssyncset.done $0x0  }
0x45: {  	s4 =	sadd.s32 $0x50, s8;
	s9 =	rddreg [dreg:$0x9];
	[sflag:s30] =	ssyncadd.s32 $0xFFFFF800  }
0x46: {  	[tilespmem:s16], [sflag:$0x4] =	stream.indirect.gather @!p0 [hbm4b:s3+s10], $0x10, s2, s10, $0xb8;
	[tilespmem:$0x8C00] =	vst v63  }
0x47: {  	s12 =	sadd.s32 $0x50, s9;
	s2 =	sadd.s32 $0x50, s7;
	_ =	swait.ge [sflag:s31], $0x800  }
0x48: {  	s16 =	sadd.s32 $0x50, s0;
	s10 =	smov.u32 s9;
	[sflag:s31] =	ssyncset.done $0x0  }
.LBB2_2:
0x49: {  	s6 =	simm.s32 @!p1 $0xA  }
0x4a: {  	[sflag:s31] =	ssyncadd.s32 $0xFFFFF800;
	s7 =	smov.u32 s13;
	s13 =	sadd.s32 $0xA00, s13  }
0x4b: {  	[hbm4b:s10+s22] =	stream.strided.scatter [tilespmem:s20], [sflag:$0xA], $0x800, s14, s22, $0x38;
	[tilespmem:$0x8C00] =	vst v63  }
0x4c: {  	p0 =	sne.s32 s13, $0x19000;
	s10 =	smov.u32 s12;
	_ =	swait.ge @!p1 [sflag:s6], $0x800  }
0x4d: {  	s8 =	sshra.s32 s5, $0x2;
	[sflag:s6] =	ssyncset.done @!p1 $0x0  }
0x4e: {  	[sflag:s6] =	ssyncadd.s32 @!p1 $0xFFFFF800;
	s6 =	sadd.s32 $0x200, s8  }
0x4f: {  	[tilespmem:s20], [sflag:$0x5] =	stream.indirect.gather [hbm4b:s3+s11], $0x10, s6, s11, $0xb8;
	[tilespmem:$0x8C00] =	vst v63  }
0x50: {  	_ =	swait.ge [sflag:s21], $0x800  }
0x51: {  	[sflag:s21] =	ssyncset.done $0x0  }
0x52: {  	[sflag:s21] =	ssyncadd.s32 $0xFFFFF800  }
0x53: {  	[hbm4b:s4+s22] =	stream.strided.scatter [tilespmem:s14], [sflag:$0x6], $0x800, s14, s22, $0x38;
	[tilespmem:$0x8C00] =	vst v63  }
0x54: {  	p1 =	seq.s32 s5, $0x18600;
	_ =	swait.ge [sflag:s23], $0x800  }
0x55: {  	s5 =	sshra.s32 @!p1 s5, $0x2;
	s6 =	simm.s32 @!p1 $0x6400;
	[sflag:s23] =	ssyncset.done $0x0  }
0x56: {  	s9 =	simm.s32 @!p1 $0x80;
	s8 =	sadd.s32 @!p1 $0x280, s5;
	[sflag:s23] =	ssyncadd.s32 $0xFFFFF800  }
0x57: {  	[tilespmem:s6], [sflag:$0x1] =	stream.indirect.gather @!p1 [hbm4b:s3+s9], $0x10, s8, s9, $0xb8;
	[tilespmem:$0x8C00] =	vst v63  }
0x58: {  	s6 =	sadd.s32 @!p1 $0x300, s5;
	s8 =	sadd.s32 @!p1 $0x380, s5;
	_ =	swait.ge [sflag:s24], $0x800  }
0x59: {  	s0 =	sadd.s32 @!p1 $0x400, s5;
	s5 =	smov.u32 s7;
	[sflag:s24] =	ssyncset.done $0x0  }
0x5a: {  	[sflag:s24] =	ssyncadd.s32 $0xFFFFF800  }
0x5b: {  	[hbm4b:s2+s22] =	stream.strided.scatter [tilespmem:s15], [sflag:$0x7], $0x800, s14, s22, $0x38;
	[tilespmem:$0x8C00] =	vst v63  }
0x5c: {  	_ =	swait.ge [sflag:s25], $0x800  }
0x5d: {  	[sflag:s25] =	ssyncset.done $0x0  }
0x5e: {  	s7 =	simm.s32 @!p1 $0x6C00;
	[sflag:s25] =	ssyncadd.s32 $0xFFFFF800  }
0x5f: {  	[tilespmem:s7], [sflag:$0x2] =	stream.indirect.gather @!p1 [hbm4b:s3+s9], $0x10, s6, s9, $0xb8;
	[tilespmem:$0x8C00] =	vst v63  }
0x60: {  	_ =	swait.ge [sflag:s26], $0x800  }
0x61: {  	[sflag:s26] =	ssyncset.done $0x0  }
0x62: {  	[sflag:s26] =	ssyncadd.s32 $0xFFFFF800  }
0x63: {  	[hbm4b:s18+s22] =	stream.strided.scatter [tilespmem:s17], [sflag:$0x8], $0x800, s14, s22, $0x38;
	[tilespmem:$0x8C00] =	vst v63  }
0x64: {  	_ =	swait.ge [sflag:s28], $0x800  }
0x65: {  	[sflag:s28] =	ssyncset.done $0x0  }
0x66: {  	s6 =	simm.s32 @!p1 $0x7400;
	[sflag:s28] =	ssyncadd.s32 $0xFFFFF800  }
0x67: {  	[tilespmem:s6], [sflag:$0x3] =	stream.indirect.gather @!p1 [hbm4b:s3+s9], $0x10, s8, s9, $0xb8;
	[tilespmem:$0x8C00] =	vst v63  }
0x68: {  	_ =	swait.ge [sflag:s29], $0x800  }
0x69: {  	[sflag:s29] =	ssyncset.done $0x0  }
0x6a: {  	[sflag:s29] =	ssyncadd.s32 $0xFFFFF800  }
0x6b: {  	[hbm4b:s16+s22] =	stream.strided.scatter [tilespmem:s19], [sflag:$0x9], $0x800, s14, s22, $0x38;
	[tilespmem:$0x8C00] =	vst v63  }
0x6c: {  	_ =	swait.ge [sflag:s30], $0x800  }
.Ltmp0:
0x6d: {  	s12 =	sadd.s32 $0x50, s12;
	[sflag:s30] =	ssyncset.done $0x0;
	(pc) =	sbr.rel @p0 .LBB2_2-.Ltmp0, $4  }
0x6e: {  	s4 =	sadd.s32 $0x50, s4;
	s6 =	simm.s32 @!p1 $0x7C00;
	[sflag:s30] =	ssyncadd.s32 $0xFFFFF800  }
0x6f: {  	[tilespmem:s6], [sflag:$0x4] =	stream.indirect.gather @!p1 [hbm4b:s3+s9], $0x10, s0, s9, $0xb8;
	[tilespmem:$0x8C00] =	vst v63  }
0x70: {  	s2 =	sadd.s32 $0x50, s2;
	s18 =	sadd.s32 $0x50, s18;
	_ =	swait.ge [sflag:s31], $0x800  }
0x71: {  	s16 =	sadd.s32 $0x50, s16;
	p1 =	seq.s32 s5, $0x0;
	[sflag:s31] =	ssyncset.done $0x0  }
0x72: {  	s0 =	simm.s32 @!p1 $0xA;
	[sflag:s31] =	ssyncadd.s32 $0xFFFFF800  }
0x73: {  	[hbm4b:s10+s22] =	stream.strided.scatter [tilespmem:s20], [sflag:$0xA], $0x800, s14, s22, $0x38;
	[tilespmem:$0x8C00] =	vst v63  }
0x74: {  	_ =	swait.ge @!p1 [sflag:s0], $0x800  }
0x75: {  	s6 =	sshra.s32 s5, $0x2;
	[sflag:s0] =	ssyncset.done @!p1 $0x0  }
0x76: {  	s13 =	sadd.s32 $0x200, s6;
	[sflag:s0] =	ssyncadd.s32 @!p1 $0xFFFFF800  }
0x77: {  	[tilespmem:s20], [sflag:$0x5] =	stream.indirect.gather [hbm4b:s3+s11], $0x10, s13, s11, $0xb8;
	[tilespmem:$0x8C00] =	vst v63  }
0x78: {  	_ =	swait.ge [sflag:s21], $0x800  }
0x79: {  	[sflag:s21] =	ssyncset.done $0x0  }
0x7a: {  	[sflag:s21] =	ssyncadd.s32 $0xFFFFF800  }
0x7b: {  	[hbm4b:s4+s22] =	stream.strided.scatter [tilespmem:s14], [sflag:$0x6], $0x800, s14, s22, $0x38;
	[tilespmem:$0x8C00] =	vst v63  }
0x7c: {  	p0 =	seq.s32 s5, $0x18600;
	_ =	swait.ge [sflag:s23], $0x800  }
0x7d: {  	s6 =	simm.s32 @!p0 $0x80;
	s0 =	sshra.s32 @!p0 s5, $0x2;
	[sflag:s23] =	ssyncset.done $0x0  }
0x7e: {  	s5 =	sadd.s32 @!p0 $0x280, s0;
	s4 =	simm.s32 @!p0 $0x6400;
	[sflag:s23] =	ssyncadd.s32 $0xFFFFF800  }
0x7f: {  	[tilespmem:s4], [sflag:$0x1] =	stream.indirect.gather @!p0 [hbm4b:s3+s6], $0x10, s5, s6, $0xb8;
	[tilespmem:$0x8C00] =	vst v63  }
0x80: {  	_ =	swait.ge [sflag:s24], $0x800  }
0x81: {  	[sflag:s24] =	ssyncset.done $0x0  }
0x82: {  	[sflag:s24] =	ssyncadd.s32 $0xFFFFF800  }
0x83: {  	[hbm4b:s2+s22] =	stream.strided.scatter [tilespmem:s15], [sflag:$0x7], $0x800, s14, s22, $0x38;
	[tilespmem:$0x8C00] =	vst v63  }
0x84: {  	_ =	swait.ge [sflag:s25], $0x800  }
0x85: {  	[sflag:s25] =	ssyncset.done $0x0  }
0x86: {  	s4 =	simm.s32 @!p0 $0x6C00;
	s2 =	sadd.s32 @!p0 $0x300, s0;
	[sflag:s25] =	ssyncadd.s32 $0xFFFFF800  }
0x87: {  	[tilespmem:s4], [sflag:$0x2] =	stream.indirect.gather @!p0 [hbm4b:s3+s6], $0x10, s2, s6, $0xb8;
	[tilespmem:$0x8C00] =	vst v63  }
0x88: {  	_ =	swait.ge [sflag:s26], $0x800  }
0x89: {  	[sflag:s26] =	ssyncset.done $0x0  }
0x8a: {  	[sflag:s26] =	ssyncadd.s32 $0xFFFFF800  }
0x8b: {  	[hbm4b:s18+s22] =	stream.strided.scatter [tilespmem:s17], [sflag:$0x8], $0x800, s14, s22, $0x38;
	[tilespmem:$0x8C00] =	vst v63  }
0x8c: {  	_ =	swait.ge [sflag:s28], $0x800  }
0x8d: {  	[sflag:s28] =	ssyncset.done $0x0  }
0x8e: {  	s2 =	sadd.s32 @!p0 $0x380, s0;
	s4 =	simm.s32 @!p0 $0x7400;
	[sflag:s28] =	ssyncadd.s32 $0xFFFFF800  }
0x8f: {  	[tilespmem:s4], [sflag:$0x3] =	stream.indirect.gather @!p0 [hbm4b:s3+s6], $0x10, s2, s6, $0xb8;
	[tilespmem:$0x8C00] =	vst v63  }
0x90: {  	_ =	swait.ge [sflag:s29], $0x800  }
0x91: {  	[sflag:s29] =	ssyncset.done $0x0  }
0x92: {  	[sflag:s29] =	ssyncadd.s32 $0xFFFFF800  }
0x93: {  	[hbm4b:s16+s22] =	stream.strided.scatter [tilespmem:s19], [sflag:$0x9], $0x800, s14, s22, $0x38;
	[tilespmem:$0x8C00] =	vst v63  }
0x94: {  	_ =	swait.ge [sflag:s30], $0x800  }
0x95: {  	[sflag:s30] =	ssyncset.done $0x0  }
0x96: {  	s0 =	sadd.s32 @!p0 $0x400, s0;
	s2 =	simm.s32 @!p0 $0x7C00;
	[sflag:s30] =	ssyncadd.s32 $0xFFFFF800  }
0x97: {  	[tilespmem:s2], [sflag:$0x4] =	stream.indirect.gather @!p0 [hbm4b:s3+s6], $0x10, s0, s6, $0xb8;
	[tilespmem:$0x8C00] =	vst v63  }
0x98: {  	_ =	swait.ge [sflag:s31], $0x800  }
0x99: {  	[sflag:s31] =	ssyncset.done $0x0  }
0x9a: {  	s16 =	simm.s32 $0xA;
	[sflag:s31] =	ssyncadd.s32 $0xFFFFF800  }
0x9b: {  	[hbm4b:s12+s22] =	stream.strided.scatter [tilespmem:s20], [sflag:$0xA], $0x800, s14, s22, $0x38;
	[tilespmem:$0x8C00] =	vst v63  }
0x9c: {  	_ =	swait.ge [sflag:s16], $0x800  }
0x9d: {  	s1 =	sadd.s32 $0x1, s1;
	s18 =	rddreg [dreg:$0x4]  }
0x9e: {  	p0 =	sne.s32 s1, s18  }
.Ltmp1:
0x9f: {  	_ = 	snop;
	(pc) =	sbr.rel @p0 .LBB2_1-.Ltmp1, $3  }
0xa0: {  	_ =	sdelay $0x1  }
0xa1: {  	[sflag:s16] =	ssyncset.done $0x0  }
0xa2: {  	[sflag:s16] =	ssyncadd.s32 $0xFFFFF800  }
0xa3: {  	_ =	sfence.sel $0x180000  }
0xa4: {  	[bflag:$0x0] =	sbarrier.arrive $0xFFFF  }
0xa5: {  	_ =	strace $0x90000047  }
0xa6: {  	s0 =	stileid.u32;
	[bflag:$0x2] =	sbarrier.arrive $0xFFFF  }
0xa7: {  	p0 =	sne.s32 s0, $0x0;
	s0 =	rddreg [dreg:$0x2]  }
0xa8: {  	s0 =	sadd.s32 @!p0 $0x100000, s0  }
0xa9: {  	[sflag:s0] =	ssyncadd.tile.s32 @!p0 $0x1;
	_ =	shalt  }
.Lfunc_end2:
_tile_overlayer_lowered:
.L_overlay_start_2:
0xaa: {  	(tag) =	ssettag $0x2  }
0xab: {  	s0 =	rddreg [dreg:$0x0];
	s2 =	stileid.u32  }
0xac: {  	s1 =	rddreg [dreg:$0x1];
	p0 =	sne.s32 s2, $0x0  }
0xad: {  	s3 =	rddreg [dreg:$0x2];
	[bflag:$0x3] =	sbarrier.arrive $0xFFFF;
	s2 =	simm.s32 @!p0 $0x1C0B  }
0xae: {  	[timem:s3], [sflag:s2] =	dma.local @!p0 [hbm:s0], s1  }
0xaf: {  	s0 =	simm.s32 @!p0 $0xB  }
0xb0: {  	_ =	swait.ge @!p0 [sflag:s0], s1  }
0xb1: {  	s1 =	ssub.s32 @!p0 $0x0, s1;
	[sflag:s0] =	ssyncset.done @!p0 $0x0  }
0xb2: {  	[sflag:s0] =	ssyncadd.s32 @!p0 s1  }
0xb3: {  	[bflag:$0x3] =	sbarrier.arrive $0xFFFF  }
0xb4: {  	_ =	shalt  }

</sc_bundles>
